<compile_context>
chip_gen: v7x
topology: tpu7x:2x2x1
jax: 0.10.2.dev20260603
libtpu: 0.0.44.dev20260713+nightly
codegen_flags: <defaults>
</compile_context>

<pallas_src>
import functools

import jax
import jax.numpy as jnp
from jax import lax
from jax.experimental import pallas as pl
from jax.experimental.pallas import tpu as pltpu
from jax.experimental.pallas import tpu_sc as plsc

N_NODES = 10000
D_FEAT = 128
N_EDGES = 320000

_NC = 2
_NS = 16
_NW = _NC * _NS

_B_PER_W = N_EDGES // _NW
_CHUNK = 40
_N_CHUNKS = _B_PER_W // _CHUNK
_NBUF = 8
_N_MAIN = (_N_CHUNKS // _NBUF) * _NBUF
_N_TAIL = _N_CHUNKS - _N_MAIN

_mesh = plsc.VectorSubcoreMesh(core_axis_name="c", subcore_axis_name="s")


@functools.partial(
    pl.kernel,
    out_type=jax.ShapeDtypeStruct((N_EDGES, D_FEAT), jnp.float32),
    mesh=_mesh,
    scratch_types=[
        pltpu.VMEM_SHARED((N_NODES, D_FEAT), jnp.float32),
        pltpu.VMEM((_B_PER_W,), jnp.int32),
        [pltpu.VMEM((_CHUNK, D_FEAT), jnp.float32) for _ in range(_NBUF)],
        [pltpu.SemaphoreType.DMA for _ in range(_NBUF)],
        [pltpu.SemaphoreType.DMA for _ in range(_NBUF)],
        pltpu.SemaphoreType.DMA,
    ],
)
def _gather_kernel(x_hbm, idx_hbm, out_hbm, x_sh, idx_all, rows_v,
                   sem_g, sem_w, sem_st):
    sid = lax.axis_index("s")
    wid = sid * _NC + lax.axis_index("c")
    base = wid * _B_PER_W

    @pl.when(sid < 15)
    def _stage_a():
        r0 = sid * 624
        pltpu.async_copy(x_hbm.at[pl.ds(r0, 624)], x_sh.at[pl.ds(r0, 624)],
                         sem_st)

    @pl.when(sid == 15)
    def _stage_b():
        pltpu.async_copy(x_hbm.at[pl.ds(9360, 640)],
                         x_sh.at[pl.ds(9360, 640)], sem_st)

    pltpu.sync_copy(idx_hbm.at[pl.ds(base, _B_PER_W)], idx_all)

    def start_gather(chunk, b, src):
        idx_c = idx_all.at[pl.ds(chunk * _CHUNK, _CHUNK)]
        return pltpu.async_copy(src.at[idx_c], rows_v[b], sem_g[b])

    def out_slice(chunk):
        return out_hbm.at[pl.ds(base + chunk * _CHUNK, _CHUNK)]

    first = [start_gather(b, b, x_hbm) for b in range(_NBUF)]

    @pl.when(sid < 15)
    def _stage_a_wait():
        r0 = sid * 624
        pltpu.make_async_copy(x_hbm.at[pl.ds(r0, 624)],
                              x_sh.at[pl.ds(r0, 624)], sem_st).wait()

    @pl.when(sid == 15)
    def _stage_b_wait():
        pltpu.make_async_copy(x_hbm.at[pl.ds(9360, 640)],
                              x_sh.at[pl.ds(9360, 640)], sem_st).wait()

    plsc.subcore_barrier()

    for b in range(_NBUF):
        first[b].wait()
        pltpu.async_copy(rows_v[b], out_slice(b), sem_w[b])

    @pl.loop(_NBUF, _N_MAIN, step=_NBUF)
    def _chunk(i0):
        gathers = []
        for b in range(_NBUF):
            pltpu.make_async_copy(rows_v[b], out_slice(i0 + b),
                                  sem_w[b]).wait()
            gathers.append(start_gather(i0 + b, b, x_sh))
        for b in range(_NBUF):
            gathers[b].wait()
            pltpu.async_copy(rows_v[b], out_slice(i0 + b), sem_w[b])

    tail_gathers = []
    for b in range(_N_TAIL):
        pltpu.make_async_copy(rows_v[b], out_slice(_N_MAIN + b),
                              sem_w[b]).wait()
        tail_gathers.append(start_gather(_N_MAIN + b, b, x_sh))
    for b in range(_N_TAIL):
        tail_gathers[b].wait()
        pltpu.async_copy(rows_v[b], out_slice(_N_MAIN + b), sem_w[b])

    for b in range(_NBUF):
        chunk = _N_MAIN + b if b < _N_TAIL else _N_MAIN - _NBUF + b
        pltpu.make_async_copy(rows_v[b], out_slice(chunk), sem_w[b]).wait()


def kernel(x, idx):
    return _gather_kernel(x, idx.astype(jnp.int32))

# --- scband reference (transcript-rebuilt; emitter-appended) ---
"""Pipeline reference for scband-selector-17643725652142 (READ-ONLY COPY).

The authoritative reference and input builder live on the scoring server;
editing this copy changes nothing except your own understanding.
"""

import jax, jax.numpy as jnp
import numpy as np

N_NODES = 10000
D_FEAT = 128
N_EDGES = 320000

def setup_inputs(seed: int = 0) -> dict:
    key = jax.random.key(seed)
    k1, k2 = jax.random.split(key)
    x = jax.random.normal(k1, (N_NODES, D_FEAT), dtype=jnp.float32)
    idx = jax.random.randint(k2, (N_EDGES,), 0, N_NODES)
    return {"x": x, "idx": idx}

def reference(x, idx):
    # EASIER Selector.forward: pure row-gather of the (distributed) tensor
    # by the selector's index tensor: out[e] = x[idx[e]]
    return jnp.take(x, idx, axis=0)

if __name__ == "__main__":
    import jax
    _d = setup_inputs()
    print(jax.jit(kernel)(*tuple(_d.values())))

</pallas_src>

<mosaic_0001>
#map = affine_map<(d0, d1) -> (0, 0)>
#map1 = affine_map<(d0, d1) -> (0)>
module attributes {stable_mosaic.version = 14 : i64} {
  func.func @_gather_kernel(%arg0: i32, %arg1: i32, %arg2: memref<10000x128xf32, #tpu.memory_space<hbm>>, %arg3: memref<320000xi32, #tpu.memory_space<hbm>>, %arg4: memref<320000x128xf32, #tpu.memory_space<hbm>>, %arg5: memref<10000x128xf32, #tpu.memory_space<vmem_shared>>, %arg6: memref<10000xi32, #tpu.memory_space<vmem>>, %arg7: memref<40x128xf32, #tpu.memory_space<vmem>>, %arg8: memref<40x128xf32, #tpu.memory_space<vmem>>, %arg9: memref<40x128xf32, #tpu.memory_space<vmem>>, %arg10: memref<40x128xf32, #tpu.memory_space<vmem>>, %arg11: memref<40x128xf32, #tpu.memory_space<vmem>>, %arg12: memref<40x128xf32, #tpu.memory_space<vmem>>, %arg13: memref<40x128xf32, #tpu.memory_space<vmem>>, %arg14: memref<40x128xf32, #tpu.memory_space<vmem>>, %arg15: memref<!tpu.dma_semaphore, #tpu.memory_space<semaphore_mem>>, %arg16: memref<!tpu.dma_semaphore, #tpu.memory_space<semaphore_mem>>, %arg17: memref<!tpu.dma_semaphore, #tpu.memory_space<semaphore_mem>>, %arg18: memref<!tpu.dma_semaphore, #tpu.memory_space<semaphore_mem>>, %arg19: memref<!tpu.dma_semaphore, #tpu.memory_space<semaphore_mem>>, %arg20: memref<!tpu.dma_semaphore, #tpu.memory_space<semaphore_mem>>, %arg21: memref<!tpu.dma_semaphore, #tpu.memory_space<semaphore_mem>>, %arg22: memref<!tpu.dma_semaphore, #tpu.memory_space<semaphore_mem>>, %arg23: memref<!tpu.dma_semaphore, #tpu.memory_space<semaphore_mem>>, %arg24: memref<!tpu.dma_semaphore, #tpu.memory_space<semaphore_mem>>, %arg25: memref<!tpu.dma_semaphore, #tpu.memory_space<semaphore_mem>>, %arg26: memref<!tpu.dma_semaphore, #tpu.memory_space<semaphore_mem>>, %arg27: memref<!tpu.dma_semaphore, #tpu.memory_space<semaphore_mem>>, %arg28: memref<!tpu.dma_semaphore, #tpu.memory_space<semaphore_mem>>, %arg29: memref<!tpu.dma_semaphore, #tpu.memory_space<semaphore_mem>>, %arg30: memref<!tpu.dma_semaphore, #tpu.memory_space<semaphore_mem>>, %arg31: memref<!tpu.dma_semaphore, #tpu.memory_space<semaphore_mem>>) attributes {dimension_semantics = [#tpu.dimension_semantics<core_parallel>, #tpu.dimension_semantics<subcore_parallel>], iteration_bounds = array<i64: 2, 16>, scalar_prefetch = 0 : i64, scratch_operands = 27 : i64, tpu.core_type = #tpu.core_type<sc_vector_subcore>, window_params = [{transform_indices = #map}, {transform_indices = #map1}, {transform_indices = #map}]} {
    %mul3A = arith.constant 2 : i32
    %mul3A_0 = arith.muli %arg1, %mul3A : i32
    %add3A = arith.addi %mul3A_0, %arg0 : i32
    %mul3A_1 = arith.constant 10000 : i32
    %mul3A_2 = arith.muli %add3A, %mul3A_1 : i32
    %lt3A = arith.constant 15 : i32
    %lt3A_3 = arith.cmpi slt, %arg1, %lt3A : i32
    %convert_element_type3A = arith.extui %lt3A_3 : i1 to i32
    %cond3A = arith.constant 0 : i32
    %cond3A_4 = arith.cmpi ne, %convert_element_type3A, %cond3A : i32
    scf.if %cond3A_4 {
      %mul3A_241 = arith.constant 624 : i32
      %mul3A_242 = arith.muli %arg1, %mul3A_241 : i32
      %dma_start3A_243 = arith.constant 0 : i32
      %dma_start3A_244 = tpu.memref_slice %arg5[%mul3A_242, %dma_start3A_243] : memref<10000x128xf32, #tpu.memory_space<vmem_shared>> -> memref<624x128xf32, #tpu.memory_space<vmem_shared>>
      %dma_start3A_245 = arith.constant 0 : i32
      %dma_start3A_246 = tpu.memref_slice %arg2[%mul3A_242, %dma_start3A_245] : memref<10000x128xf32, #tpu.memory_space<hbm>> -> memref<624x128xf32, #tpu.memory_space<hbm>>
      tpu.enqueue_dma source(%dma_start3A_246 : memref<624x128xf32, #tpu.memory_space<hbm>>) target(%dma_start3A_244 : memref<624x128xf32, #tpu.memory_space<vmem_shared>>) target_semaphore(%arg31 : memref<!tpu.dma_semaphore, #tpu.memory_space<semaphore_mem>>)
    } else {
    }
    %eq3A = arith.constant 15 : i32
    %eq3A_5 = arith.cmpi eq, %arg1, %eq3A : i32
    %convert_element_type3A_6 = arith.extui %eq3A_5 : i1 to i32
    %cond3A_7 = arith.constant 0 : i32
    %cond3A_8 = arith.cmpi ne, %convert_element_type3A_6, %cond3A_7 : i32
    scf.if %cond3A_8 {
      %dma_start3A_241 = arith.constant 9360 : i32
      %dma_start3A_242 = arith.constant 0 : i32
      %dma_start3A_243 = tpu.memref_slice %arg5[%dma_start3A_241, %dma_start3A_242] : memref<10000x128xf32, #tpu.memory_space<vmem_shared>> -> memref<640x128xf32, #tpu.memory_space<vmem_shared>>
      %dma_start3A_244 = arith.constant 9360 : i32
      %dma_start3A_245 = arith.constant 0 : i32
      %dma_start3A_246 = tpu.memref_slice %arg2[%dma_start3A_244, %dma_start3A_245] : memref<10000x128xf32, #tpu.memory_space<hbm>> -> memref<640x128xf32, #tpu.memory_space<hbm>>
      tpu.enqueue_dma source(%dma_start3A_246 : memref<640x128xf32, #tpu.memory_space<hbm>>) target(%dma_start3A_243 : memref<640x128xf32, #tpu.memory_space<vmem_shared>>) target_semaphore(%arg31 : memref<!tpu.dma_semaphore, #tpu.memory_space<semaphore_mem>>)
    } else {
    }
    "tpu.region"() ({
      %run_scoped3A = tpu.sem_alloc : memref<!tpu.dma_semaphore, #tpu.memory_space<semaphore_mem>>
      %dma_start3A_241 = tpu.memref_slice %arg3[%mul3A_2] : memref<320000xi32, #tpu.memory_space<hbm>> -> memref<10000xi32, #tpu.memory_space<hbm>>
      %dma_start3A_242 = tpu.memref_slice %arg3[%mul3A_2] : memref<320000xi32, #tpu.memory_space<hbm>> -> memref<10000xi32, #tpu.memory_space<hbm>>
      tpu.enqueue_dma source(%dma_start3A_242 : memref<10000xi32, #tpu.memory_space<hbm>>) target(%arg6 : memref<10000xi32, #tpu.memory_space<vmem>>) target_semaphore(%run_scoped3A : memref<!tpu.dma_semaphore, #tpu.memory_space<semaphore_mem>>)
      %dma_wait3A_243 = tpu.memref_slice %arg3[%mul3A_2] : memref<320000xi32, #tpu.memory_space<hbm>> -> memref<10000xi32, #tpu.memory_space<hbm>>
      %dma_wait3A_244 = tpu.memref_slice %arg3[%mul3A_2] : memref<320000xi32, #tpu.memory_space<hbm>> -> memref<10000xi32, #tpu.memory_space<hbm>>
      tpu.wait_dma2 semaphore(%run_scoped3A : memref<!tpu.dma_semaphore, #tpu.memory_space<semaphore_mem>>) src(%dma_wait3A_244 : memref<10000xi32, #tpu.memory_space<hbm>>) dst(%arg6 : memref<10000xi32, #tpu.memory_space<vmem>>)
      tpu.yield
    }) : () -> ()
    %dma_start3A = arith.constant 0 : i32
    %dma_start3A_9 = tpu.memref_slice %arg6[%dma_start3A] : memref<10000xi32, #tpu.memory_space<vmem>> -> memref<40xi32, #tpu.memory_space<vmem>>
    %dma_start3A_10 = arith.constant 0 : i32
    %dma_start3A_11 = arith.constant 0 : i32
    %dma_start3A_12 = tpu.memref_slice %arg2[%dma_start3A_10, %dma_start3A_11] : memref<10000x128xf32, #tpu.memory_space<hbm>> -> memref<10000x128xf32, #tpu.memory_space<hbm>>
    tpu.enqueue_indirect_dma source(%dma_start3A_12 : memref<10000x128xf32, #tpu.memory_space<hbm>>) target(%arg7 : memref<40x128xf32, #tpu.memory_space<vmem>>) offsets(%dma_start3A_9 : memref<40xi32, #tpu.memory_space<vmem>>) semaphore(%arg15 : memref<!tpu.dma_semaphore, #tpu.memory_space<semaphore_mem>>)
    %dma_start3A_13 = arith.constant 40 : i32
    %dma_start3A_14 = tpu.memref_slice %arg6[%dma_start3A_13] : memref<10000xi32, #tpu.memory_space<vmem>> -> memref<40xi32, #tpu.memory_space<vmem>>
    %dma_start3A_15 = arith.constant 0 : i32
    %dma_start3A_16 = arith.constant 0 : i32
    %dma_start3A_17 = tpu.memref_slice %arg2[%dma_start3A_15, %dma_start3A_16] : memref<10000x128xf32, #tpu.memory_space<hbm>> -> memref<10000x128xf32, #tpu.memory_space<hbm>>
    tpu.enqueue_indirect_dma source(%dma_start3A_17 : memref<10000x128xf32, #tpu.memory_space<hbm>>) target(%arg8 : memref<40x128xf32, #tpu.memory_space<vmem>>) offsets(%dma_start3A_14 : memref<40xi32, #tpu.memory_space<vmem>>) semaphore(%arg16 : memref<!tpu.dma_semaphore, #tpu.memory_space<semaphore_mem>>)
    %dma_start3A_18 = arith.constant 80 : i32
    %dma_start3A_19 = tpu.memref_slice %arg6[%dma_start3A_18] : memref<10000xi32, #tpu.memory_space<vmem>> -> memref<40xi32, #tpu.memory_space<vmem>>
    %dma_start3A_20 = arith.constant 0 : i32
    %dma_start3A_21 = arith.constant 0 : i32
    %dma_start3A_22 = tpu.memref_slice %arg2[%dma_start3A_20, %dma_start3A_21] : memref<10000x128xf32, #tpu.memory_space<hbm>> -> memref<10000x128xf32, #tpu.memory_space<hbm>>
    tpu.enqueue_indirect_dma source(%dma_start3A_22 : memref<10000x128xf32, #tpu.memory_space<hbm>>) target(%arg9 : memref<40x128xf32, #tpu.memory_space<vmem>>) offsets(%dma_start3A_19 : memref<40xi32, #tpu.memory_space<vmem>>) semaphore(%arg17 : memref<!tpu.dma_semaphore, #tpu.memory_space<semaphore_mem>>)
    %dma_start3A_23 = arith.constant 120 : i32
    %dma_start3A_24 = tpu.memref_slice %arg6[%dma_start3A_23] : memref<10000xi32, #tpu.memory_space<vmem>> -> memref<40xi32, #tpu.memory_space<vmem>>
    %dma_start3A_25 = arith.constant 0 : i32
    %dma_start3A_26 = arith.constant 0 : i32
    %dma_start3A_27 = tpu.memref_slice %arg2[%dma_start3A_25, %dma_start3A_26] : memref<10000x128xf32, #tpu.memory_space<hbm>> -> memref<10000x128xf32, #tpu.memory_space<hbm>>
    tpu.enqueue_indirect_dma source(%dma_start3A_27 : memref<10000x128xf32, #tpu.memory_space<hbm>>) target(%arg10 : memref<40x128xf32, #tpu.memory_space<vmem>>) offsets(%dma_start3A_24 : memref<40xi32, #tpu.memory_space<vmem>>) semaphore(%arg18 : memref<!tpu.dma_semaphore, #tpu.memory_space<semaphore_mem>>)
    %dma_start3A_28 = arith.constant 160 : i32
    %dma_start3A_29 = tpu.memref_slice %arg6[%dma_start3A_28] : memref<10000xi32, #tpu.memory_space<vmem>> -> memref<40xi32, #tpu.memory_space<vmem>>
    %dma_start3A_30 = arith.constant 0 : i32
    %dma_start3A_31 = arith.constant 0 : i32
    %dma_start3A_32 = tpu.memref_slice %arg2[%dma_start3A_30, %dma_start3A_31] : memref<10000x128xf32, #tpu.memory_space<hbm>> -> memref<10000x128xf32, #tpu.memory_space<hbm>>
    tpu.enqueue_indirect_dma source(%dma_start3A_32 : memref<10000x128xf32, #tpu.memory_space<hbm>>) target(%arg11 : memref<40x128xf32, #tpu.memory_space<vmem>>) offsets(%dma_start3A_29 : memref<40xi32, #tpu.memory_space<vmem>>) semaphore(%arg19 : memref<!tpu.dma_semaphore, #tpu.memory_space<semaphore_mem>>)
    %dma_start3A_33 = arith.constant 200 : i32
    %dma_start3A_34 = tpu.memref_slice %arg6[%dma_start3A_33] : memref<10000xi32, #tpu.memory_space<vmem>> -> memref<40xi32, #tpu.memory_space<vmem>>
    %dma_start3A_35 = arith.constant 0 : i32
    %dma_start3A_36 = arith.constant 0 : i32
    %dma_start3A_37 = tpu.memref_slice %arg2[%dma_start3A_35, %dma_start3A_36] : memref<10000x128xf32, #tpu.memory_space<hbm>> -> memref<10000x128xf32, #tpu.memory_space<hbm>>
    tpu.enqueue_indirect_dma source(%dma_start3A_37 : memref<10000x128xf32, #tpu.memory_space<hbm>>) target(%arg12 : memref<40x128xf32, #tpu.memory_space<vmem>>) offsets(%dma_start3A_34 : memref<40xi32, #tpu.memory_space<vmem>>) semaphore(%arg20 : memref<!tpu.dma_semaphore, #tpu.memory_space<semaphore_mem>>)
    %dma_start3A_38 = arith.constant 240 : i32
    %dma_start3A_39 = tpu.memref_slice %arg6[%dma_start3A_38] : memref<10000xi32, #tpu.memory_space<vmem>> -> memref<40xi32, #tpu.memory_space<vmem>>
    %dma_start3A_40 = arith.constant 0 : i32
    %dma_start3A_41 = arith.constant 0 : i32
    %dma_start3A_42 = tpu.memref_slice %arg2[%dma_start3A_40, %dma_start3A_41] : memref<10000x128xf32, #tpu.memory_space<hbm>> -> memref<10000x128xf32, #tpu.memory_space<hbm>>
    tpu.enqueue_indirect_dma source(%dma_start3A_42 : memref<10000x128xf32, #tpu.memory_space<hbm>>) target(%arg13 : memref<40x128xf32, #tpu.memory_space<vmem>>) offsets(%dma_start3A_39 : memref<40xi32, #tpu.memory_space<vmem>>) semaphore(%arg21 : memref<!tpu.dma_semaphore, #tpu.memory_space<semaphore_mem>>)
    %dma_start3A_43 = arith.constant 280 : i32
    %dma_start3A_44 = tpu.memref_slice %arg6[%dma_start3A_43] : memref<10000xi32, #tpu.memory_space<vmem>> -> memref<40xi32, #tpu.memory_space<vmem>>
    %dma_start3A_45 = arith.constant 0 : i32
    %dma_start3A_46 = arith.constant 0 : i32
    %dma_start3A_47 = tpu.memref_slice %arg2[%dma_start3A_45, %dma_start3A_46] : memref<10000x128xf32, #tpu.memory_space<hbm>> -> memref<10000x128xf32, #tpu.memory_space<hbm>>
    tpu.enqueue_indirect_dma source(%dma_start3A_47 : memref<10000x128xf32, #tpu.memory_space<hbm>>) target(%arg14 : memref<40x128xf32, #tpu.memory_space<vmem>>) offsets(%dma_start3A_44 : memref<40xi32, #tpu.memory_space<vmem>>) semaphore(%arg22 : memref<!tpu.dma_semaphore, #tpu.memory_space<semaphore_mem>>)
    %lt3A_48 = arith.constant 15 : i32
    %lt3A_49 = arith.cmpi slt, %arg1, %lt3A_48 : i32
    %convert_element_type3A_50 = arith.extui %lt3A_49 : i1 to i32
    %cond3A_51 = arith.constant 0 : i32
    %cond3A_52 = arith.cmpi ne, %convert_element_type3A_50, %cond3A_51 : i32
    scf.if %cond3A_52 {
      %mul3A_241 = arith.constant 624 : i32
      %mul3A_242 = arith.muli %arg1, %mul3A_241 : i32
      %dma_wait3A_243 = arith.constant 0 : i32
      %dma_wait3A_244 = tpu.memref_slice %arg5[%mul3A_242, %dma_wait3A_243] : memref<10000x128xf32, #tpu.memory_space<vmem_shared>> -> memref<624x128xf32, #tpu.memory_space<vmem_shared>>
      %dma_wait3A_245 = arith.constant 0 : i32
      %dma_wait3A_246 = tpu.memref_slice %arg2[%mul3A_242, %dma_wait3A_245] : memref<10000x128xf32, #tpu.memory_space<hbm>> -> memref<624x128xf32, #tpu.memory_space<hbm>>
      tpu.wait_dma2 semaphore(%arg31 : memref<!tpu.dma_semaphore, #tpu.memory_space<semaphore_mem>>) src(%dma_wait3A_246 : memref<624x128xf32, #tpu.memory_space<hbm>>) dst(%dma_wait3A_244 : memref<624x128xf32, #tpu.memory_space<vmem_shared>>)
    } else {
    }
    %eq3A_53 = arith.constant 15 : i32
    %eq3A_54 = arith.cmpi eq, %arg1, %eq3A_53 : i32
    %convert_element_type3A_55 = arith.extui %eq3A_54 : i1 to i32
    %cond3A_56 = arith.constant 0 : i32
    %cond3A_57 = arith.cmpi ne, %convert_element_type3A_55, %cond3A_56 : i32
    scf.if %cond3A_57 {
      %dma_wait3A_241 = arith.constant 9360 : i32
      %dma_wait3A_242 = arith.constant 0 : i32
      %dma_wait3A_243 = tpu.memref_slice %arg5[%dma_wait3A_241, %dma_wait3A_242] : memref<10000x128xf32, #tpu.memory_space<vmem_shared>> -> memref<640x128xf32, #tpu.memory_space<vmem_shared>>
      %dma_wait3A_244 = arith.constant 9360 : i32
      %dma_wait3A_245 = arith.constant 0 : i32
      %dma_wait3A_246 = tpu.memref_slice %arg2[%dma_wait3A_244, %dma_wait3A_245] : memref<10000x128xf32, #tpu.memory_space<hbm>> -> memref<640x128xf32, #tpu.memory_space<hbm>>
      tpu.wait_dma2 semaphore(%arg31 : memref<!tpu.dma_semaphore, #tpu.memory_space<semaphore_mem>>) src(%dma_wait3A_246 : memref<640x128xf32, #tpu.memory_space<hbm>>) dst(%dma_wait3A_243 : memref<640x128xf32, #tpu.memory_space<vmem_shared>>)
    } else {
    }
    %barrier3A = arith.constant 0 : index
    tpu.barrier barrier_id(%barrier3A)
    %dma_wait3A = arith.constant 0 : i32
    %dma_wait3A_58 = tpu.memref_slice %arg6[%dma_wait3A] : memref<10000xi32, #tpu.memory_space<vmem>> -> memref<40xi32, #tpu.memory_space<vmem>>
    %dma_wait3A_59 = arith.constant 0 : i32
    %dma_wait3A_60 = arith.constant 0 : i32
    %dma_wait3A_61 = tpu.memref_slice %arg2[%dma_wait3A_59, %dma_wait3A_60] : memref<10000x128xf32, #tpu.memory_space<hbm>> -> memref<10000x128xf32, #tpu.memory_space<hbm>>
    tpu.wait_indirect_dma semaphore(%arg15 : memref<!tpu.dma_semaphore, #tpu.memory_space<semaphore_mem>>) src(%dma_wait3A_61 : memref<10000x128xf32, #tpu.memory_space<hbm>>) dst(%arg7 : memref<40x128xf32, #tpu.memory_space<vmem>>)
    %add3A_62 = arith.constant 0 : i32
    %add3A_63 = arith.addi %mul3A_2, %add3A_62 : i32
    %dma_start3A_64 = arith.constant 0 : i32
    %dma_start3A_65 = tpu.memref_slice %arg4[%add3A_63, %dma_start3A_64] : memref<320000x128xf32, #tpu.memory_space<hbm>> -> memref<40x128xf32, #tpu.memory_space<hbm>>
    %dma_start3A_66 = arith.constant 0 : i32
    %dma_start3A_67 = tpu.memref_slice %arg4[%add3A_63, %dma_start3A_66] : memref<320000x128xf32, #tpu.memory_space<hbm>> -> memref<40x128xf32, #tpu.memory_space<hbm>>
    tpu.enqueue_dma source(%arg7 : memref<40x128xf32, #tpu.memory_space<vmem>>) target(%dma_start3A_67 : memref<40x128xf32, #tpu.memory_space<hbm>>) target_semaphore(%arg23 : memref<!tpu.dma_semaphore, #tpu.memory_space<semaphore_mem>>)
    %dma_wait3A_68 = arith.constant 40 : i32
    %dma_wait3A_69 = tpu.memref_slice %arg6[%dma_wait3A_68] : memref<10000xi32, #tpu.memory_space<vmem>> -> memref<40xi32, #tpu.memory_space<vmem>>
    %dma_wait3A_70 = arith.constant 0 : i32
    %dma_wait3A_71 = arith.constant 0 : i32
    %dma_wait3A_72 = tpu.memref_slice %arg2[%dma_wait3A_70, %dma_wait3A_71] : memref<10000x128xf32, #tpu.memory_space<hbm>> -> memref<10000x128xf32, #tpu.memory_space<hbm>>
    tpu.wait_indirect_dma semaphore(%arg16 : memref<!tpu.dma_semaphore, #tpu.memory_space<semaphore_mem>>) src(%dma_wait3A_72 : memref<10000x128xf32, #tpu.memory_space<hbm>>) dst(%arg8 : memref<40x128xf32, #tpu.memory_space<vmem>>)
    %add3A_73 = arith.constant 40 : i32
    %add3A_74 = arith.addi %mul3A_2, %add3A_73 : i32
    %dma_start3A_75 = arith.constant 0 : i32
    %dma_start3A_76 = tpu.memref_slice %arg4[%add3A_74, %dma_start3A_75] : memref<320000x128xf32, #tpu.memory_space<hbm>> -> memref<40x128xf32, #tpu.memory_space<hbm>>
    %dma_start3A_77 = arith.constant 0 : i32
    %dma_start3A_78 = tpu.memref_slice %arg4[%add3A_74, %dma_start3A_77] : memref<320000x128xf32, #tpu.memory_space<hbm>> -> memref<40x128xf32, #tpu.memory_space<hbm>>
    tpu.enqueue_dma source(%arg8 : memref<40x128xf32, #tpu.memory_space<vmem>>) target(%dma_start3A_78 : memref<40x128xf32, #tpu.memory_space<hbm>>) target_semaphore(%arg24 : memref<!tpu.dma_semaphore, #tpu.memory_space<semaphore_mem>>)
    %dma_wait3A_79 = arith.constant 80 : i32
    %dma_wait3A_80 = tpu.memref_slice %arg6[%dma_wait3A_79] : memref<10000xi32, #tpu.memory_space<vmem>> -> memref<40xi32, #tpu.memory_space<vmem>>
    %dma_wait3A_81 = arith.constant 0 : i32
    %dma_wait3A_82 = arith.constant 0 : i32
    %dma_wait3A_83 = tpu.memref_slice %arg2[%dma_wait3A_81, %dma_wait3A_82] : memref<10000x128xf32, #tpu.memory_space<hbm>> -> memref<10000x128xf32, #tpu.memory_space<hbm>>
    tpu.wait_indirect_dma semaphore(%arg17 : memref<!tpu.dma_semaphore, #tpu.memory_space<semaphore_mem>>) src(%dma_wait3A_83 : memref<10000x128xf32, #tpu.memory_space<hbm>>) dst(%arg9 : memref<40x128xf32, #tpu.memory_space<vmem>>)
    %add3A_84 = arith.constant 80 : i32
    %add3A_85 = arith.addi %mul3A_2, %add3A_84 : i32
    %dma_start3A_86 = arith.constant 0 : i32
    %dma_start3A_87 = tpu.memref_slice %arg4[%add3A_85, %dma_start3A_86] : memref<320000x128xf32, #tpu.memory_space<hbm>> -> memref<40x128xf32, #tpu.memory_space<hbm>>
    %dma_start3A_88 = arith.constant 0 : i32
    %dma_start3A_89 = tpu.memref_slice %arg4[%add3A_85, %dma_start3A_88] : memref<320000x128xf32, #tpu.memory_space<hbm>> -> memref<40x128xf32, #tpu.memory_space<hbm>>
    tpu.enqueue_dma source(%arg9 : memref<40x128xf32, #tpu.memory_space<vmem>>) target(%dma_start3A_89 : memref<40x128xf32, #tpu.memory_space<hbm>>) target_semaphore(%arg25 : memref<!tpu.dma_semaphore, #tpu.memory_space<semaphore_mem>>)
    %dma_wait3A_90 = arith.constant 120 : i32
    %dma_wait3A_91 = tpu.memref_slice %arg6[%dma_wait3A_90] : memref<10000xi32, #tpu.memory_space<vmem>> -> memref<40xi32, #tpu.memory_space<vmem>>
    %dma_wait3A_92 = arith.constant 0 : i32
    %dma_wait3A_93 = arith.constant 0 : i32
    %dma_wait3A_94 = tpu.memref_slice %arg2[%dma_wait3A_92, %dma_wait3A_93] : memref<10000x128xf32, #tpu.memory_space<hbm>> -> memref<10000x128xf32, #tpu.memory_space<hbm>>
    tpu.wait_indirect_dma semaphore(%arg18 : memref<!tpu.dma_semaphore, #tpu.memory_space<semaphore_mem>>) src(%dma_wait3A_94 : memref<10000x128xf32, #tpu.memory_space<hbm>>) dst(%arg10 : memref<40x128xf32, #tpu.memory_space<vmem>>)
    %add3A_95 = arith.constant 120 : i32
    %add3A_96 = arith.addi %mul3A_2, %add3A_95 : i32
    %dma_start3A_97 = arith.constant 0 : i32
    %dma_start3A_98 = tpu.memref_slice %arg4[%add3A_96, %dma_start3A_97] : memref<320000x128xf32, #tpu.memory_space<hbm>> -> memref<40x128xf32, #tpu.memory_space<hbm>>
    %dma_start3A_99 = arith.constant 0 : i32
    %dma_start3A_100 = tpu.memref_slice %arg4[%add3A_96, %dma_start3A_99] : memref<320000x128xf32, #tpu.memory_space<hbm>> -> memref<40x128xf32, #tpu.memory_space<hbm>>
    tpu.enqueue_dma source(%arg10 : memref<40x128xf32, #tpu.memory_space<vmem>>) target(%dma_start3A_100 : memref<40x128xf32, #tpu.memory_space<hbm>>) target_semaphore(%arg26 : memref<!tpu.dma_semaphore, #tpu.memory_space<semaphore_mem>>)
    %dma_wait3A_101 = arith.constant 160 : i32
    %dma_wait3A_102 = tpu.memref_slice %arg6[%dma_wait3A_101] : memref<10000xi32, #tpu.memory_space<vmem>> -> memref<40xi32, #tpu.memory_space<vmem>>
    %dma_wait3A_103 = arith.constant 0 : i32
    %dma_wait3A_104 = arith.constant 0 : i32
    %dma_wait3A_105 = tpu.memref_slice %arg2[%dma_wait3A_103, %dma_wait3A_104] : memref<10000x128xf32, #tpu.memory_space<hbm>> -> memref<10000x128xf32, #tpu.memory_space<hbm>>
    tpu.wait_indirect_dma semaphore(%arg19 : memref<!tpu.dma_semaphore, #tpu.memory_space<semaphore_mem>>) src(%dma_wait3A_105 : memref<10000x128xf32, #tpu.memory_space<hbm>>) dst(%arg11 : memref<40x128xf32, #tpu.memory_space<vmem>>)
    %add3A_106 = arith.constant 160 : i32
    %add3A_107 = arith.addi %mul3A_2, %add3A_106 : i32
    %dma_start3A_108 = arith.constant 0 : i32
    %dma_start3A_109 = tpu.memref_slice %arg4[%add3A_107, %dma_start3A_108] : memref<320000x128xf32, #tpu.memory_space<hbm>> -> memref<40x128xf32, #tpu.memory_space<hbm>>
    %dma_start3A_110 = arith.constant 0 : i32
    %dma_start3A_111 = tpu.memref_slice %arg4[%add3A_107, %dma_start3A_110] : memref<320000x128xf32, #tpu.memory_space<hbm>> -> memref<40x128xf32, #tpu.memory_space<hbm>>
    tpu.enqueue_dma source(%arg11 : memref<40x128xf32, #tpu.memory_space<vmem>>) target(%dma_start3A_111 : memref<40x128xf32, #tpu.memory_space<hbm>>) target_semaphore(%arg27 : memref<!tpu.dma_semaphore, #tpu.memory_space<semaphore_mem>>)
    %dma_wait3A_112 = arith.constant 200 : i32
    %dma_wait3A_113 = tpu.memref_slice %arg6[%dma_wait3A_112] : memref<10000xi32, #tpu.memory_space<vmem>> -> memref<40xi32, #tpu.memory_space<vmem>>
    %dma_wait3A_114 = arith.constant 0 : i32
    %dma_wait3A_115 = arith.constant 0 : i32
    %dma_wait3A_116 = tpu.memref_slice %arg2[%dma_wait3A_114, %dma_wait3A_115] : memref<10000x128xf32, #tpu.memory_space<hbm>> -> memref<10000x128xf32, #tpu.memory_space<hbm>>
    tpu.wait_indirect_dma semaphore(%arg20 : memref<!tpu.dma_semaphore, #tpu.memory_space<semaphore_mem>>) src(%dma_wait3A_116 : memref<10000x128xf32, #tpu.memory_space<hbm>>) dst(%arg12 : memref<40x128xf32, #tpu.memory_space<vmem>>)
    %add3A_117 = arith.constant 200 : i32
    %add3A_118 = arith.addi %mul3A_2, %add3A_117 : i32
    %dma_start3A_119 = arith.constant 0 : i32
    %dma_start3A_120 = tpu.memref_slice %arg4[%add3A_118, %dma_start3A_119] : memref<320000x128xf32, #tpu.memory_space<hbm>> -> memref<40x128xf32, #tpu.memory_space<hbm>>
    %dma_start3A_121 = arith.constant 0 : i32
    %dma_start3A_122 = tpu.memref_slice %arg4[%add3A_118, %dma_start3A_121] : memref<320000x128xf32, #tpu.memory_space<hbm>> -> memref<40x128xf32, #tpu.memory_space<hbm>>
    tpu.enqueue_dma source(%arg12 : memref<40x128xf32, #tpu.memory_space<vmem>>) target(%dma_start3A_122 : memref<40x128xf32, #tpu.memory_space<hbm>>) target_semaphore(%arg28 : memref<!tpu.dma_semaphore, #tpu.memory_space<semaphore_mem>>)
    %dma_wait3A_123 = arith.constant 240 : i32
    %dma_wait3A_124 = tpu.memref_slice %arg6[%dma_wait3A_123] : memref<10000xi32, #tpu.memory_space<vmem>> -> memref<40xi32, #tpu.memory_space<vmem>>
    %dma_wait3A_125 = arith.constant 0 : i32
    %dma_wait3A_126 = arith.constant 0 : i32
    %dma_wait3A_127 = tpu.memref_slice %arg2[%dma_wait3A_125, %dma_wait3A_126] : memref<10000x128xf32, #tpu.memory_space<hbm>> -> memref<10000x128xf32, #tpu.memory_space<hbm>>
    tpu.wait_indirect_dma semaphore(%arg21 : memref<!tpu.dma_semaphore, #tpu.memory_space<semaphore_mem>>) src(%dma_wait3A_127 : memref<10000x128xf32, #tpu.memory_space<hbm>>) dst(%arg13 : memref<40x128xf32, #tpu.memory_space<vmem>>)
    %add3A_128 = arith.constant 240 : i32
    %add3A_129 = arith.addi %mul3A_2, %add3A_128 : i32
    %dma_start3A_130 = arith.constant 0 : i32
    %dma_start3A_131 = tpu.memref_slice %arg4[%add3A_129, %dma_start3A_130] : memref<320000x128xf32, #tpu.memory_space<hbm>> -> memref<40x128xf32, #tpu.memory_space<hbm>>
    %dma_start3A_132 = arith.constant 0 : i32
    %dma_start3A_133 = tpu.memref_slice %arg4[%add3A_129, %dma_start3A_132] : memref<320000x128xf32, #tpu.memory_space<hbm>> -> memref<40x128xf32, #tpu.memory_space<hbm>>
    tpu.enqueue_dma source(%arg13 : memref<40x128xf32, #tpu.memory_space<vmem>>) target(%dma_start3A_133 : memref<40x128xf32, #tpu.memory_space<hbm>>) target_semaphore(%arg29 : memref<!tpu.dma_semaphore, #tpu.memory_space<semaphore_mem>>)
    %dma_wait3A_134 = arith.constant 280 : i32
    %dma_wait3A_135 = tpu.memref_slice %arg6[%dma_wait3A_134] : memref<10000xi32, #tpu.memory_space<vmem>> -> memref<40xi32, #tpu.memory_space<vmem>>
    %dma_wait3A_136 = arith.constant 0 : i32
    %dma_wait3A_137 = arith.constant 0 : i32
    %dma_wait3A_138 = tpu.memref_slice %arg2[%dma_wait3A_136, %dma_wait3A_137] : memref<10000x128xf32, #tpu.memory_space<hbm>> -> memref<10000x128xf32, #tpu.memory_space<hbm>>
    tpu.wait_indirect_dma semaphore(%arg22 : memref<!tpu.dma_semaphore, #tpu.memory_space<semaphore_mem>>) src(%dma_wait3A_138 : memref<10000x128xf32, #tpu.memory_space<hbm>>) dst(%arg14 : memref<40x128xf32, #tpu.memory_space<vmem>>)
    %add3A_139 = arith.constant 280 : i32
    %add3A_140 = arith.addi %mul3A_2, %add3A_139 : i32
    %dma_start3A_141 = arith.constant 0 : i32
    %dma_start3A_142 = tpu.memref_slice %arg4[%add3A_140, %dma_start3A_141] : memref<320000x128xf32, #tpu.memory_space<hbm>> -> memref<40x128xf32, #tpu.memory_space<hbm>>
    %dma_start3A_143 = arith.constant 0 : i32
    %dma_start3A_144 = tpu.memref_slice %arg4[%add3A_140, %dma_start3A_143] : memref<320000x128xf32, #tpu.memory_space<hbm>> -> memref<40x128xf32, #tpu.memory_space<hbm>>
    tpu.enqueue_dma source(%arg14 : memref<40x128xf32, #tpu.memory_space<vmem>>) target(%dma_start3A_144 : memref<40x128xf32, #tpu.memory_space<hbm>>) target_semaphore(%arg30 : memref<!tpu.dma_semaphore, #tpu.memory_space<semaphore_mem>>)
    %scan3A = arith.constant 0 : i32
    %scan3A_145 = arith.constant 30 : i32
    %scan3A_146 = arith.addi %scan3A, %scan3A_145 : i32
    %scan3A_147 = arith.constant 1 : i32
    scf.for %scan3A_241 = %scan3A to %scan3A_146 step %scan3A_147  : i32 {
      %mul3A_242 = arith.constant 8 : i32
      %mul3A_243 = arith.muli %scan3A_241, %mul3A_242 : i32
      %add3A_244 = arith.constant 8 : i32
      %add3A_245 = arith.addi %add3A_244, %mul3A_243 : i32
      %add3A_246 = arith.constant 0 : i32
      %add3A_247 = arith.addi %add3A_245, %add3A_246 : i32
      %mul3A_248 = arith.constant 40 : i32
      %mul3A_249 = arith.muli %add3A_247, %mul3A_248 : i32
      %add3A_250 = arith.addi %mul3A_2, %mul3A_249 : i32
      %dma_wait3A_251 = arith.constant 0 : i32
      %dma_wait3A_252 = tpu.memref_slice %arg4[%add3A_250, %dma_wait3A_251] : memref<320000x128xf32, #tpu.memory_space<hbm>> -> memref<40x128xf32, #tpu.memory_space<hbm>>
      %dma_wait3A_253 = arith.constant 0 : i32
      %dma_wait3A_254 = tpu.memref_slice %arg4[%add3A_250, %dma_wait3A_253] : memref<320000x128xf32, #tpu.memory_space<hbm>> -> memref<40x128xf32, #tpu.memory_space<hbm>>
      tpu.wait_dma2 semaphore(%arg23 : memref<!tpu.dma_semaphore, #tpu.memory_space<semaphore_mem>>) src(%arg7 : memref<40x128xf32, #tpu.memory_space<vmem>>) dst(%dma_wait3A_254 : memref<40x128xf32, #tpu.memory_space<hbm>>)
      %add3A_255 = arith.constant 0 : i32
      %add3A_256 = arith.addi %add3A_245, %add3A_255 : i32
      %mul3A_257 = arith.constant 40 : i32
      %mul3A_258 = arith.muli %add3A_256, %mul3A_257 : i32
      %dma_start3A_259 = tpu.memref_slice %arg6[%mul3A_258] : memref<10000xi32, #tpu.memory_space<vmem>> -> memref<40xi32, #tpu.memory_space<vmem>>
      %dma_start3A_260 = arith.constant 0 : i32
      %dma_start3A_261 = arith.constant 0 : i32
      %dma_start3A_262 = tpu.memref_slice %arg5[%dma_start3A_260, %dma_start3A_261] : memref<10000x128xf32, #tpu.memory_space<vmem_shared>> -> memref<10000x128xf32, #tpu.memory_space<vmem_shared>>
      tpu.enqueue_indirect_dma source(%dma_start3A_262 : memref<10000x128xf32, #tpu.memory_space<vmem_shared>>) target(%arg7 : memref<40x128xf32, #tpu.memory_space<vmem>>) offsets(%dma_start3A_259 : memref<40xi32, #tpu.memory_space<vmem>>) semaphore(%arg15 : memref<!tpu.dma_semaphore, #tpu.memory_space<semaphore_mem>>)
      %add3A_263 = arith.constant 1 : i32
      %add3A_264 = arith.addi %add3A_245, %add3A_263 : i32
      %mul3A_265 = arith.constant 40 : i32
      %mul3A_266 = arith.muli %add3A_264, %mul3A_265 : i32
      %add3A_267 = arith.addi %mul3A_2, %mul3A_266 : i32
      %dma_wait3A_268 = arith.constant 0 : i32
      %dma_wait3A_269 = tpu.memref_slice %arg4[%add3A_267, %dma_wait3A_268] : memref<320000x128xf32, #tpu.memory_space<hbm>> -> memref<40x128xf32, #tpu.memory_space<hbm>>
      %dma_wait3A_270 = arith.constant 0 : i32
      %dma_wait3A_271 = tpu.memref_slice %arg4[%add3A_267, %dma_wait3A_270] : memref<320000x128xf32, #tpu.memory_space<hbm>> -> memref<40x128xf32, #tpu.memory_space<hbm>>
      tpu.wait_dma2 semaphore(%arg24 : memref<!tpu.dma_semaphore, #tpu.memory_space<semaphore_mem>>) src(%arg8 : memref<40x128xf32, #tpu.memory_space<vmem>>) dst(%dma_wait3A_271 : memref<40x128xf32, #tpu.memory_space<hbm>>)
      %add3A_272 = arith.constant 1 : i32
      %add3A_273 = arith.addi %add3A_245, %add3A_272 : i32
      %mul3A_274 = arith.constant 40 : i32
      %mul3A_275 = arith.muli %add3A_273, %mul3A_274 : i32
      %dma_start3A_276 = tpu.memref_slice %arg6[%mul3A_275] : memref<10000xi32, #tpu.memory_space<vmem>> -> memref<40xi32, #tpu.memory_space<vmem>>
      %dma_start3A_277 = arith.constant 0 : i32
      %dma_start3A_278 = arith.constant 0 : i32
      %dma_start3A_279 = tpu.memref_slice %arg5[%dma_start3A_277, %dma_start3A_278] : memref<10000x128xf32, #tpu.memory_space<vmem_shared>> -> memref<10000x128xf32, #tpu.memory_space<vmem_shared>>
      tpu.enqueue_indirect_dma source(%dma_start3A_279 : memref<10000x128xf32, #tpu.memory_space<vmem_shared>>) target(%arg8 : memref<40x128xf32, #tpu.memory_space<vmem>>) offsets(%dma_start3A_276 : memref<40xi32, #tpu.memory_space<vmem>>) semaphore(%arg16 : memref<!tpu.dma_semaphore, #tpu.memory_space<semaphore_mem>>)
      %add3A_280 = arith.constant 2 : i32
      %add3A_281 = arith.addi %add3A_245, %add3A_280 : i32
      %mul3A_282 = arith.constant 40 : i32
      %mul3A_283 = arith.muli %add3A_281, %mul3A_282 : i32
      %add3A_284 = arith.addi %mul3A_2, %mul3A_283 : i32
      %dma_wait3A_285 = arith.constant 0 : i32
      %dma_wait3A_286 = tpu.memref_slice %arg4[%add3A_284, %dma_wait3A_285] : memref<320000x128xf32, #tpu.memory_space<hbm>> -> memref<40x128xf32, #tpu.memory_space<hbm>>
      %dma_wait3A_287 = arith.constant 0 : i32
      %dma_wait3A_288 = tpu.memref_slice %arg4[%add3A_284, %dma_wait3A_287] : memref<320000x128xf32, #tpu.memory_space<hbm>> -> memref<40x128xf32, #tpu.memory_space<hbm>>
      tpu.wait_dma2 semaphore(%arg25 : memref<!tpu.dma_semaphore, #tpu.memory_space<semaphore_mem>>) src(%arg9 : memref<40x128xf32, #tpu.memory_space<vmem>>) dst(%dma_wait3A_288 : memref<40x128xf32, #tpu.memory_space<hbm>>)
      %add3A_289 = arith.constant 2 : i32
      %add3A_290 = arith.addi %add3A_245, %add3A_289 : i32
      %mul3A_291 = arith.constant 40 : i32
      %mul3A_292 = arith.muli %add3A_290, %mul3A_291 : i32
      %dma_start3A_293 = tpu.memref_slice %arg6[%mul3A_292] : memref<10000xi32, #tpu.memory_space<vmem>> -> memref<40xi32, #tpu.memory_space<vmem>>
      %dma_start3A_294 = arith.constant 0 : i32
      %dma_start3A_295 = arith.constant 0 : i32
      %dma_start3A_296 = tpu.memref_slice %arg5[%dma_start3A_294, %dma_start3A_295] : memref<10000x128xf32, #tpu.memory_space<vmem_shared>> -> memref<10000x128xf32, #tpu.memory_space<vmem_shared>>
      tpu.enqueue_indirect_dma source(%dma_start3A_296 : memref<10000x128xf32, #tpu.memory_space<vmem_shared>>) target(%arg9 : memref<40x128xf32, #tpu.memory_space<vmem>>) offsets(%dma_start3A_293 : memref<40xi32, #tpu.memory_space<vmem>>) semaphore(%arg17 : memref<!tpu.dma_semaphore, #tpu.memory_space<semaphore_mem>>)
      %add3A_297 = arith.constant 3 : i32
      %add3A_298 = arith.addi %add3A_245, %add3A_297 : i32
      %mul3A_299 = arith.constant 40 : i32
      %mul3A_300 = arith.muli %add3A_298, %mul3A_299 : i32
      %add3A_301 = arith.addi %mul3A_2, %mul3A_300 : i32
      %dma_wait3A_302 = arith.constant 0 : i32
      %dma_wait3A_303 = tpu.memref_slice %arg4[%add3A_301, %dma_wait3A_302] : memref<320000x128xf32, #tpu.memory_space<hbm>> -> memref<40x128xf32, #tpu.memory_space<hbm>>
      %dma_wait3A_304 = arith.constant 0 : i32
      %dma_wait3A_305 = tpu.memref_slice %arg4[%add3A_301, %dma_wait3A_304] : memref<320000x128xf32, #tpu.memory_space<hbm>> -> memref<40x128xf32, #tpu.memory_space<hbm>>
      tpu.wait_dma2 semaphore(%arg26 : memref<!tpu.dma_semaphore, #tpu.memory_space<semaphore_mem>>) src(%arg10 : memref<40x128xf32, #tpu.memory_space<vmem>>) dst(%dma_wait3A_305 : memref<40x128xf32, #tpu.memory_space<hbm>>)
      %add3A_306 = arith.constant 3 : i32
      %add3A_307 = arith.addi %add3A_245, %add3A_306 : i32
      %mul3A_308 = arith.constant 40 : i32
      %mul3A_309 = arith.muli %add3A_307, %mul3A_308 : i32
      %dma_start3A_310 = tpu.memref_slice %arg6[%mul3A_309] : memref<10000xi32, #tpu.memory_space<vmem>> -> memref<40xi32, #tpu.memory_space<vmem>>
      %dma_start3A_311 = arith.constant 0 : i32
      %dma_start3A_312 = arith.constant 0 : i32
      %dma_start3A_313 = tpu.memref_slice %arg5[%dma_start3A_311, %dma_start3A_312] : memref<10000x128xf32, #tpu.memory_space<vmem_shared>> -> memref<10000x128xf32, #tpu.memory_space<vmem_shared>>
      tpu.enqueue_indirect_dma source(%dma_start3A_313 : memref<10000x128xf32, #tpu.memory_space<vmem_shared>>) target(%arg10 : memref<40x128xf32, #tpu.memory_space<vmem>>) offsets(%dma_start3A_310 : memref<40xi32, #tpu.memory_space<vmem>>) semaphore(%arg18 : memref<!tpu.dma_semaphore, #tpu.memory_space<semaphore_mem>>)
      %add3A_314 = arith.constant 4 : i32
      %add3A_315 = arith.addi %add3A_245, %add3A_314 : i32
      %mul3A_316 = arith.constant 40 : i32
      %mul3A_317 = arith.muli %add3A_315, %mul3A_316 : i32
      %add3A_318 = arith.addi %mul3A_2, %mul3A_317 : i32
      %dma_wait3A_319 = arith.constant 0 : i32
      %dma_wait3A_320 = tpu.memref_slice %arg4[%add3A_318, %dma_wait3A_319] : memref<320000x128xf32, #tpu.memory_space<hbm>> -> memref<40x128xf32, #tpu.memory_space<hbm>>
      %dma_wait3A_321 = arith.constant 0 : i32
      %dma_wait3A_322 = tpu.memref_slice %arg4[%add3A_318, %dma_wait3A_321] : memref<320000x128xf32, #tpu.memory_space<hbm>> -> memref<40x128xf32, #tpu.memory_space<hbm>>
      tpu.wait_dma2 semaphore(%arg27 : memref<!tpu.dma_semaphore, #tpu.memory_space<semaphore_mem>>) src(%arg11 : memref<40x128xf32, #tpu.memory_space<vmem>>) dst(%dma_wait3A_322 : memref<40x128xf32, #tpu.memory_space<hbm>>)
      %add3A_323 = arith.constant 4 : i32
      %add3A_324 = arith.addi %add3A_245, %add3A_323 : i32
      %mul3A_325 = arith.constant 40 : i32
      %mul3A_326 = arith.muli %add3A_324, %mul3A_325 : i32
      %dma_start3A_327 = tpu.memref_slice %arg6[%mul3A_326] : memref<10000xi32, #tpu.memory_space<vmem>> -> memref<40xi32, #tpu.memory_space<vmem>>
      %dma_start3A_328 = arith.constant 0 : i32
      %dma_start3A_329 = arith.constant 0 : i32
      %dma_start3A_330 = tpu.memref_slice %arg5[%dma_start3A_328, %dma_start3A_329] : memref<10000x128xf32, #tpu.memory_space<vmem_shared>> -> memref<10000x128xf32, #tpu.memory_space<vmem_shared>>
      tpu.enqueue_indirect_dma source(%dma_start3A_330 : memref<10000x128xf32, #tpu.memory_space<vmem_shared>>) target(%arg11 : memref<40x128xf32, #tpu.memory_space<vmem>>) offsets(%dma_start3A_327 : memref<40xi32, #tpu.memory_space<vmem>>) semaphore(%arg19 : memref<!tpu.dma_semaphore, #tpu.memory_space<semaphore_mem>>)
      %add3A_331 = arith.constant 5 : i32
      %add3A_332 = arith.addi %add3A_245, %add3A_331 : i32
      %mul3A_333 = arith.constant 40 : i32
      %mul3A_334 = arith.muli %add3A_332, %mul3A_333 : i32
      %add3A_335 = arith.addi %mul3A_2, %mul3A_334 : i32
      %dma_wait3A_336 = arith.constant 0 : i32
      %dma_wait3A_337 = tpu.memref_slice %arg4[%add3A_335, %dma_wait3A_336] : memref<320000x128xf32, #tpu.memory_space<hbm>> -> memref<40x128xf32, #tpu.memory_space<hbm>>
      %dma_wait3A_338 = arith.constant 0 : i32
      %dma_wait3A_339 = tpu.memref_slice %arg4[%add3A_335, %dma_wait3A_338] : memref<320000x128xf32, #tpu.memory_space<hbm>> -> memref<40x128xf32, #tpu.memory_space<hbm>>
      tpu.wait_dma2 semaphore(%arg28 : memref<!tpu.dma_semaphore, #tpu.memory_space<semaphore_mem>>) src(%arg12 : memref<40x128xf32, #tpu.memory_space<vmem>>) dst(%dma_wait3A_339 : memref<40x128xf32, #tpu.memory_space<hbm>>)
      %add3A_340 = arith.constant 5 : i32
      %add3A_341 = arith.addi %add3A_245, %add3A_340 : i32
      %mul3A_342 = arith.constant 40 : i32
      %mul3A_343 = arith.muli %add3A_341, %mul3A_342 : i32
      %dma_start3A_344 = tpu.memref_slice %arg6[%mul3A_343] : memref<10000xi32, #tpu.memory_space<vmem>> -> memref<40xi32, #tpu.memory_space<vmem>>
      %dma_start3A_345 = arith.constant 0 : i32
      %dma_start3A_346 = arith.constant 0 : i32
      %dma_start3A_347 = tpu.memref_slice %arg5[%dma_start3A_345, %dma_start3A_346] : memref<10000x128xf32, #tpu.memory_space<vmem_shared>> -> memref<10000x128xf32, #tpu.memory_space<vmem_shared>>
      tpu.enqueue_indirect_dma source(%dma_start3A_347 : memref<10000x128xf32, #tpu.memory_space<vmem_shared>>) target(%arg12 : memref<40x128xf32, #tpu.memory_space<vmem>>) offsets(%dma_start3A_344 : memref<40xi32, #tpu.memory_space<vmem>>) semaphore(%arg20 : memref<!tpu.dma_semaphore, #tpu.memory_space<semaphore_mem>>)
      %add3A_348 = arith.constant 6 : i32
      %add3A_349 = arith.addi %add3A_245, %add3A_348 : i32
      %mul3A_350 = arith.constant 40 : i32
      %mul3A_351 = arith.muli %add3A_349, %mul3A_350 : i32
      %add3A_352 = arith.addi %mul3A_2, %mul3A_351 : i32
      %dma_wait3A_353 = arith.constant 0 : i32
      %dma_wait3A_354 = tpu.memref_slice %arg4[%add3A_352, %dma_wait3A_353] : memref<320000x128xf32, #tpu.memory_space<hbm>> -> memref<40x128xf32, #tpu.memory_space<hbm>>
      %dma_wait3A_355 = arith.constant 0 : i32
      %dma_wait3A_356 = tpu.memref_slice %arg4[%add3A_352, %dma_wait3A_355] : memref<320000x128xf32, #tpu.memory_space<hbm>> -> memref<40x128xf32, #tpu.memory_space<hbm>>
      tpu.wait_dma2 semaphore(%arg29 : memref<!tpu.dma_semaphore, #tpu.memory_space<semaphore_mem>>) src(%arg13 : memref<40x128xf32, #tpu.memory_space<vmem>>) dst(%dma_wait3A_356 : memref<40x128xf32, #tpu.memory_space<hbm>>)
      %add3A_357 = arith.constant 6 : i32
      %add3A_358 = arith.addi %add3A_245, %add3A_357 : i32
      %mul3A_359 = arith.constant 40 : i32
      %mul3A_360 = arith.muli %add3A_358, %mul3A_359 : i32
      %dma_start3A_361 = tpu.memref_slice %arg6[%mul3A_360] : memref<10000xi32, #tpu.memory_space<vmem>> -> memref<40xi32, #tpu.memory_space<vmem>>
      %dma_start3A_362 = arith.constant 0 : i32
      %dma_start3A_363 = arith.constant 0 : i32
      %dma_start3A_364 = tpu.memref_slice %arg5[%dma_start3A_362, %dma_start3A_363] : memref<10000x128xf32, #tpu.memory_space<vmem_shared>> -> memref<10000x128xf32, #tpu.memory_space<vmem_shared>>
      tpu.enqueue_indirect_dma source(%dma_start3A_364 : memref<10000x128xf32, #tpu.memory_space<vmem_shared>>) target(%arg13 : memref<40x128xf32, #tpu.memory_space<vmem>>) offsets(%dma_start3A_361 : memref<40xi32, #tpu.memory_space<vmem>>) semaphore(%arg21 : memref<!tpu.dma_semaphore, #tpu.memory_space<semaphore_mem>>)
      %add3A_365 = arith.constant 7 : i32
      %add3A_366 = arith.addi %add3A_245, %add3A_365 : i32
      %mul3A_367 = arith.constant 40 : i32
      %mul3A_368 = arith.muli %add3A_366, %mul3A_367 : i32
      %add3A_369 = arith.addi %mul3A_2, %mul3A_368 : i32
      %dma_wait3A_370 = arith.constant 0 : i32
      %dma_wait3A_371 = tpu.memref_slice %arg4[%add3A_369, %dma_wait3A_370] : memref<320000x128xf32, #tpu.memory_space<hbm>> -> memref<40x128xf32, #tpu.memory_space<hbm>>
      %dma_wait3A_372 = arith.constant 0 : i32
      %dma_wait3A_373 = tpu.memref_slice %arg4[%add3A_369, %dma_wait3A_372] : memref<320000x128xf32, #tpu.memory_space<hbm>> -> memref<40x128xf32, #tpu.memory_space<hbm>>
      tpu.wait_dma2 semaphore(%arg30 : memref<!tpu.dma_semaphore, #tpu.memory_space<semaphore_mem>>) src(%arg14 : memref<40x128xf32, #tpu.memory_space<vmem>>) dst(%dma_wait3A_373 : memref<40x128xf32, #tpu.memory_space<hbm>>)
      %add3A_374 = arith.constant 7 : i32
      %add3A_375 = arith.addi %add3A_245, %add3A_374 : i32
      %mul3A_376 = arith.constant 40 : i32
      %mul3A_377 = arith.muli %add3A_375, %mul3A_376 : i32
      %dma_start3A_378 = tpu.memref_slice %arg6[%mul3A_377] : memref<10000xi32, #tpu.memory_space<vmem>> -> memref<40xi32, #tpu.memory_space<vmem>>
      %dma_start3A_379 = arith.constant 0 : i32
      %dma_start3A_380 = arith.constant 0 : i32
      %dma_start3A_381 = tpu.memref_slice %arg5[%dma_start3A_379, %dma_start3A_380] : memref<10000x128xf32, #tpu.memory_space<vmem_shared>> -> memref<10000x128xf32, #tpu.memory_space<vmem_shared>>
      tpu.enqueue_indirect_dma source(%dma_start3A_381 : memref<10000x128xf32, #tpu.memory_space<vmem_shared>>) target(%arg14 : memref<40x128xf32, #tpu.memory_space<vmem>>) offsets(%dma_start3A_378 : memref<40xi32, #tpu.memory_space<vmem>>) semaphore(%arg22 : memref<!tpu.dma_semaphore, #tpu.memory_space<semaphore_mem>>)
      %dma_wait3A_382 = tpu.memref_slice %arg6[%mul3A_258] : memref<10000xi32, #tpu.memory_space<vmem>> -> memref<40xi32, #tpu.memory_space<vmem>>
      %dma_wait3A_383 = arith.constant 0 : i32
      %dma_wait3A_384 = arith.constant 0 : i32
      %dma_wait3A_385 = tpu.memref_slice %arg5[%dma_wait3A_383, %dma_wait3A_384] : memref<10000x128xf32, #tpu.memory_space<vmem_shared>> -> memref<10000x128xf32, #tpu.memory_space<vmem_shared>>
      tpu.wait_indirect_dma semaphore(%arg15 : memref<!tpu.dma_semaphore, #tpu.memory_space<semaphore_mem>>) src(%dma_wait3A_385 : memref<10000x128xf32, #tpu.memory_space<vmem_shared>>) dst(%arg7 : memref<40x128xf32, #tpu.memory_space<vmem>>)
      %add3A_386 = arith.constant 0 : i32
      %add3A_387 = arith.addi %add3A_245, %add3A_386 : i32
      %mul3A_388 = arith.constant 40 : i32
      %mul3A_389 = arith.muli %add3A_387, %mul3A_388 : i32
      %add3A_390 = arith.addi %mul3A_2, %mul3A_389 : i32
      %dma_start3A_391 = arith.constant 0 : i32
      %dma_start3A_392 = tpu.memref_slice %arg4[%add3A_390, %dma_start3A_391] : memref<320000x128xf32, #tpu.memory_space<hbm>> -> memref<40x128xf32, #tpu.memory_space<hbm>>
      %dma_start3A_393 = arith.constant 0 : i32
      %dma_start3A_394 = tpu.memref_slice %arg4[%add3A_390, %dma_start3A_393] : memref<320000x128xf32, #tpu.memory_space<hbm>> -> memref<40x128xf32, #tpu.memory_space<hbm>>
      tpu.enqueue_dma source(%arg7 : memref<40x128xf32, #tpu.memory_space<vmem>>) target(%dma_start3A_394 : memref<40x128xf32, #tpu.memory_space<hbm>>) target_semaphore(%arg23 : memref<!tpu.dma_semaphore, #tpu.memory_space<semaphore_mem>>)
      %dma_wait3A_395 = tpu.memref_slice %arg6[%mul3A_275] : memref<10000xi32, #tpu.memory_space<vmem>> -> memref<40xi32, #tpu.memory_space<vmem>>
      %dma_wait3A_396 = arith.constant 0 : i32
      %dma_wait3A_397 = arith.constant 0 : i32
      %dma_wait3A_398 = tpu.memref_slice %arg5[%dma_wait3A_396, %dma_wait3A_397] : memref<10000x128xf32, #tpu.memory_space<vmem_shared>> -> memref<10000x128xf32, #tpu.memory_space<vmem_shared>>
      tpu.wait_indirect_dma semaphore(%arg16 : memref<!tpu.dma_semaphore, #tpu.memory_space<semaphore_mem>>) src(%dma_wait3A_398 : memref<10000x128xf32, #tpu.memory_space<vmem_shared>>) dst(%arg8 : memref<40x128xf32, #tpu.memory_space<vmem>>)
      %add3A_399 = arith.constant 1 : i32
      %add3A_400 = arith.addi %add3A_245, %add3A_399 : i32
      %mul3A_401 = arith.constant 40 : i32
      %mul3A_402 = arith.muli %add3A_400, %mul3A_401 : i32
      %add3A_403 = arith.addi %mul3A_2, %mul3A_402 : i32
      %dma_start3A_404 = arith.constant 0 : i32
      %dma_start3A_405 = tpu.memref_slice %arg4[%add3A_403, %dma_start3A_404] : memref<320000x128xf32, #tpu.memory_space<hbm>> -> memref<40x128xf32, #tpu.memory_space<hbm>>
      %dma_start3A_406 = arith.constant 0 : i32
      %dma_start3A_407 = tpu.memref_slice %arg4[%add3A_403, %dma_start3A_406] : memref<320000x128xf32, #tpu.memory_space<hbm>> -> memref<40x128xf32, #tpu.memory_space<hbm>>
      tpu.enqueue_dma source(%arg8 : memref<40x128xf32, #tpu.memory_space<vmem>>) target(%dma_start3A_407 : memref<40x128xf32, #tpu.memory_space<hbm>>) target_semaphore(%arg24 : memref<!tpu.dma_semaphore, #tpu.memory_space<semaphore_mem>>)
      %dma_wait3A_408 = tpu.memref_slice %arg6[%mul3A_292] : memref<10000xi32, #tpu.memory_space<vmem>> -> memref<40xi32, #tpu.memory_space<vmem>>
      %dma_wait3A_409 = arith.constant 0 : i32
      %dma_wait3A_410 = arith.constant 0 : i32
      %dma_wait3A_411 = tpu.memref_slice %arg5[%dma_wait3A_409, %dma_wait3A_410] : memref<10000x128xf32, #tpu.memory_space<vmem_shared>> -> memref<10000x128xf32, #tpu.memory_space<vmem_shared>>
      tpu.wait_indirect_dma semaphore(%arg17 : memref<!tpu.dma_semaphore, #tpu.memory_space<semaphore_mem>>) src(%dma_wait3A_411 : memref<10000x128xf32, #tpu.memory_space<vmem_shared>>) dst(%arg9 : memref<40x128xf32, #tpu.memory_space<vmem>>)
      %add3A_412 = arith.constant 2 : i32
      %add3A_413 = arith.addi %add3A_245, %add3A_412 : i32
      %mul3A_414 = arith.constant 40 : i32
      %mul3A_415 = arith.muli %add3A_413, %mul3A_414 : i32
      %add3A_416 = arith.addi %mul3A_2, %mul3A_415 : i32
      %dma_start3A_417 = arith.constant 0 : i32
      %dma_start3A_418 = tpu.memref_slice %arg4[%add3A_416, %dma_start3A_417] : memref<320000x128xf32, #tpu.memory_space<hbm>> -> memref<40x128xf32, #tpu.memory_space<hbm>>
      %dma_start3A_419 = arith.constant 0 : i32
      %dma_start3A_420 = tpu.memref_slice %arg4[%add3A_416, %dma_start3A_419] : memref<320000x128xf32, #tpu.memory_space<hbm>> -> memref<40x128xf32, #tpu.memory_space<hbm>>
      tpu.enqueue_dma source(%arg9 : memref<40x128xf32, #tpu.memory_space<vmem>>) target(%dma_start3A_420 : memref<40x128xf32, #tpu.memory_space<hbm>>) target_semaphore(%arg25 : memref<!tpu.dma_semaphore, #tpu.memory_space<semaphore_mem>>)
      %dma_wait3A_421 = tpu.memref_slice %arg6[%mul3A_309] : memref<10000xi32, #tpu.memory_space<vmem>> -> memref<40xi32, #tpu.memory_space<vmem>>
      %dma_wait3A_422 = arith.constant 0 : i32
      %dma_wait3A_423 = arith.constant 0 : i32
      %dma_wait3A_424 = tpu.memref_slice %arg5[%dma_wait3A_422, %dma_wait3A_423] : memref<10000x128xf32, #tpu.memory_space<vmem_shared>> -> memref<10000x128xf32, #tpu.memory_space<vmem_shared>>
      tpu.wait_indirect_dma semaphore(%arg18 : memref<!tpu.dma_semaphore, #tpu.memory_space<semaphore_mem>>) src(%dma_wait3A_424 : memref<10000x128xf32, #tpu.memory_space<vmem_shared>>) dst(%arg10 : memref<40x128xf32, #tpu.memory_space<vmem>>)
      %add3A_425 = arith.constant 3 : i32
      %add3A_426 = arith.addi %add3A_245, %add3A_425 : i32
      %mul3A_427 = arith.constant 40 : i32
      %mul3A_428 = arith.muli %add3A_426, %mul3A_427 : i32
      %add3A_429 = arith.addi %mul3A_2, %mul3A_428 : i32
      %dma_start3A_430 = arith.constant 0 : i32
      %dma_start3A_431 = tpu.memref_slice %arg4[%add3A_429, %dma_start3A_430] : memref<320000x128xf32, #tpu.memory_space<hbm>> -> memref<40x128xf32, #tpu.memory_space<hbm>>
      %dma_start3A_432 = arith.constant 0 : i32
      %dma_start3A_433 = tpu.memref_slice %arg4[%add3A_429, %dma_start3A_432] : memref<320000x128xf32, #tpu.memory_space<hbm>> -> memref<40x128xf32, #tpu.memory_space<hbm>>
      tpu.enqueue_dma source(%arg10 : memref<40x128xf32, #tpu.memory_space<vmem>>) target(%dma_start3A_433 : memref<40x128xf32, #tpu.memory_space<hbm>>) target_semaphore(%arg26 : memref<!tpu.dma_semaphore, #tpu.memory_space<semaphore_mem>>)
      %dma_wait3A_434 = tpu.memref_slice %arg6[%mul3A_326] : memref<10000xi32, #tpu.memory_space<vmem>> -> memref<40xi32, #tpu.memory_space<vmem>>
      %dma_wait3A_435 = arith.constant 0 : i32
      %dma_wait3A_436 = arith.constant 0 : i32
      %dma_wait3A_437 = tpu.memref_slice %arg5[%dma_wait3A_435, %dma_wait3A_436] : memref<10000x128xf32, #tpu.memory_space<vmem_shared>> -> memref<10000x128xf32, #tpu.memory_space<vmem_shared>>
      tpu.wait_indirect_dma semaphore(%arg19 : memref<!tpu.dma_semaphore, #tpu.memory_space<semaphore_mem>>) src(%dma_wait3A_437 : memref<10000x128xf32, #tpu.memory_space<vmem_shared>>) dst(%arg11 : memref<40x128xf32, #tpu.memory_space<vmem>>)
      %add3A_438 = arith.constant 4 : i32
      %add3A_439 = arith.addi %add3A_245, %add3A_438 : i32
      %mul3A_440 = arith.constant 40 : i32
      %mul3A_441 = arith.muli %add3A_439, %mul3A_440 : i32
      %add3A_442 = arith.addi %mul3A_2, %mul3A_441 : i32
      %dma_start3A_443 = arith.constant 0 : i32
      %dma_start3A_444 = tpu.memref_slice %arg4[%add3A_442, %dma_start3A_443] : memref<320000x128xf32, #tpu.memory_space<hbm>> -> memref<40x128xf32, #tpu.memory_space<hbm>>
      %dma_start3A_445 = arith.constant 0 : i32
      %dma_start3A_446 = tpu.memref_slice %arg4[%add3A_442, %dma_start3A_445] : memref<320000x128xf32, #tpu.memory_space<hbm>> -> memref<40x128xf32, #tpu.memory_space<hbm>>
      tpu.enqueue_dma source(%arg11 : memref<40x128xf32, #tpu.memory_space<vmem>>) target(%dma_start3A_446 : memref<40x128xf32, #tpu.memory_space<hbm>>) target_semaphore(%arg27 : memref<!tpu.dma_semaphore, #tpu.memory_space<semaphore_mem>>)
      %dma_wait3A_447 = tpu.memref_slice %arg6[%mul3A_343] : memref<10000xi32, #tpu.memory_space<vmem>> -> memref<40xi32, #tpu.memory_space<vmem>>
      %dma_wait3A_448 = arith.constant 0 : i32
      %dma_wait3A_449 = arith.constant 0 : i32
      %dma_wait3A_450 = tpu.memref_slice %arg5[%dma_wait3A_448, %dma_wait3A_449] : memref<10000x128xf32, #tpu.memory_space<vmem_shared>> -> memref<10000x128xf32, #tpu.memory_space<vmem_shared>>
      tpu.wait_indirect_dma semaphore(%arg20 : memref<!tpu.dma_semaphore, #tpu.memory_space<semaphore_mem>>) src(%dma_wait3A_450 : memref<10000x128xf32, #tpu.memory_space<vmem_shared>>) dst(%arg12 : memref<40x128xf32, #tpu.memory_space<vmem>>)
      %add3A_451 = arith.constant 5 : i32
      %add3A_452 = arith.addi %add3A_245, %add3A_451 : i32
      %mul3A_453 = arith.constant 40 : i32
      %mul3A_454 = arith.muli %add3A_452, %mul3A_453 : i32
      %add3A_455 = arith.addi %mul3A_2, %mul3A_454 : i32
      %dma_start3A_456 = arith.constant 0 : i32
      %dma_start3A_457 = tpu.memref_slice %arg4[%add3A_455, %dma_start3A_456] : memref<320000x128xf32, #tpu.memory_space<hbm>> -> memref<40x128xf32, #tpu.memory_space<hbm>>
      %dma_start3A_458 = arith.constant 0 : i32
      %dma_start3A_459 = tpu.memref_slice %arg4[%add3A_455, %dma_start3A_458] : memref<320000x128xf32, #tpu.memory_space<hbm>> -> memref<40x128xf32, #tpu.memory_space<hbm>>
      tpu.enqueue_dma source(%arg12 : memref<40x128xf32, #tpu.memory_space<vmem>>) target(%dma_start3A_459 : memref<40x128xf32, #tpu.memory_space<hbm>>) target_semaphore(%arg28 : memref<!tpu.dma_semaphore, #tpu.memory_space<semaphore_mem>>)
      %dma_wait3A_460 = tpu.memref_slice %arg6[%mul3A_360] : memref<10000xi32, #tpu.memory_space<vmem>> -> memref<40xi32, #tpu.memory_space<vmem>>
      %dma_wait3A_461 = arith.constant 0 : i32
      %dma_wait3A_462 = arith.constant 0 : i32
      %dma_wait3A_463 = tpu.memref_slice %arg5[%dma_wait3A_461, %dma_wait3A_462] : memref<10000x128xf32, #tpu.memory_space<vmem_shared>> -> memref<10000x128xf32, #tpu.memory_space<vmem_shared>>
      tpu.wait_indirect_dma semaphore(%arg21 : memref<!tpu.dma_semaphore, #tpu.memory_space<semaphore_mem>>) src(%dma_wait3A_463 : memref<10000x128xf32, #tpu.memory_space<vmem_shared>>) dst(%arg13 : memref<40x128xf32, #tpu.memory_space<vmem>>)
      %add3A_464 = arith.constant 6 : i32
      %add3A_465 = arith.addi %add3A_245, %add3A_464 : i32
      %mul3A_466 = arith.constant 40 : i32
      %mul3A_467 = arith.muli %add3A_465, %mul3A_466 : i32
      %add3A_468 = arith.addi %mul3A_2, %mul3A_467 : i32
      %dma_start3A_469 = arith.constant 0 : i32
      %dma_start3A_470 = tpu.memref_slice %arg4[%add3A_468, %dma_start3A_469] : memref<320000x128xf32, #tpu.memory_space<hbm>> -> memref<40x128xf32, #tpu.memory_space<hbm>>
      %dma_start3A_471 = arith.constant 0 : i32
      %dma_start3A_472 = tpu.memref_slice %arg4[%add3A_468, %dma_start3A_471] : memref<320000x128xf32, #tpu.memory_space<hbm>> -> memref<40x128xf32, #tpu.memory_space<hbm>>
      tpu.enqueue_dma source(%arg13 : memref<40x128xf32, #tpu.memory_space<vmem>>) target(%dma_start3A_472 : memref<40x128xf32, #tpu.memory_space<hbm>>) target_semaphore(%arg29 : memref<!tpu.dma_semaphore, #tpu.memory_space<semaphore_mem>>)
      %dma_wait3A_473 = tpu.memref_slice %arg6[%mul3A_377] : memref<10000xi32, #tpu.memory_space<vmem>> -> memref<40xi32, #tpu.memory_space<vmem>>
      %dma_wait3A_474 = arith.constant 0 : i32
      %dma_wait3A_475 = arith.constant 0 : i32
      %dma_wait3A_476 = tpu.memref_slice %arg5[%dma_wait3A_474, %dma_wait3A_475] : memref<10000x128xf32, #tpu.memory_space<vmem_shared>> -> memref<10000x128xf32, #tpu.memory_space<vmem_shared>>
      tpu.wait_indirect_dma semaphore(%arg22 : memref<!tpu.dma_semaphore, #tpu.memory_space<semaphore_mem>>) src(%dma_wait3A_476 : memref<10000x128xf32, #tpu.memory_space<vmem_shared>>) dst(%arg14 : memref<40x128xf32, #tpu.memory_space<vmem>>)
      %add3A_477 = arith.constant 7 : i32
      %add3A_478 = arith.addi %add3A_245, %add3A_477 : i32
      %mul3A_479 = arith.constant 40 : i32
      %mul3A_480 = arith.muli %add3A_478, %mul3A_479 : i32
      %add3A_481 = arith.addi %mul3A_2, %mul3A_480 : i32
      %dma_start3A_482 = arith.constant 0 : i32
      %dma_start3A_483 = tpu.memref_slice %arg4[%add3A_481, %dma_start3A_482] : memref<320000x128xf32, #tpu.memory_space<hbm>> -> memref<40x128xf32, #tpu.memory_space<hbm>>
      %dma_start3A_484 = arith.constant 0 : i32
      %dma_start3A_485 = tpu.memref_slice %arg4[%add3A_481, %dma_start3A_484] : memref<320000x128xf32, #tpu.memory_space<hbm>> -> memref<40x128xf32, #tpu.memory_space<hbm>>
      tpu.enqueue_dma source(%arg14 : memref<40x128xf32, #tpu.memory_space<vmem>>) target(%dma_start3A_485 : memref<40x128xf32, #tpu.memory_space<hbm>>) target_semaphore(%arg30 : memref<!tpu.dma_semaphore, #tpu.memory_space<semaphore_mem>>)
    }
    %scan3A_148 = arith.constant 30 : i32
    %add3A_149 = arith.constant 9920 : i32
    %add3A_150 = arith.addi %mul3A_2, %add3A_149 : i32
    %dma_wait3A_151 = arith.constant 0 : i32
    %dma_wait3A_152 = tpu.memref_slice %arg4[%add3A_150, %dma_wait3A_151] : memref<320000x128xf32, #tpu.memory_space<hbm>> -> memref<40x128xf32, #tpu.memory_space<hbm>>
    %dma_wait3A_153 = arith.constant 0 : i32
    %dma_wait3A_154 = tpu.memref_slice %arg4[%add3A_150, %dma_wait3A_153] : memref<320000x128xf32, #tpu.memory_space<hbm>> -> memref<40x128xf32, #tpu.memory_space<hbm>>
    tpu.wait_dma2 semaphore(%arg23 : memref<!tpu.dma_semaphore, #tpu.memory_space<semaphore_mem>>) src(%arg7 : memref<40x128xf32, #tpu.memory_space<vmem>>) dst(%dma_wait3A_154 : memref<40x128xf32, #tpu.memory_space<hbm>>)
    %dma_start3A_155 = arith.constant 9920 : i32
    %dma_start3A_156 = tpu.memref_slice %arg6[%dma_start3A_155] : memref<10000xi32, #tpu.memory_space<vmem>> -> memref<40xi32, #tpu.memory_space<vmem>>
    %dma_start3A_157 = arith.constant 0 : i32
    %dma_start3A_158 = arith.constant 0 : i32
    %dma_start3A_159 = tpu.memref_slice %arg5[%dma_start3A_157, %dma_start3A_158] : memref<10000x128xf32, #tpu.memory_space<vmem_shared>> -> memref<10000x128xf32, #tpu.memory_space<vmem_shared>>
    tpu.enqueue_indirect_dma source(%dma_start3A_159 : memref<10000x128xf32, #tpu.memory_space<vmem_shared>>) target(%arg7 : memref<40x128xf32, #tpu.memory_space<vmem>>) offsets(%dma_start3A_156 : memref<40xi32, #tpu.memory_space<vmem>>) semaphore(%arg15 : memref<!tpu.dma_semaphore, #tpu.memory_space<semaphore_mem>>)
    %add3A_160 = arith.constant 9960 : i32
    %add3A_161 = arith.addi %mul3A_2, %add3A_160 : i32
    %dma_wait3A_162 = arith.constant 0 : i32
    %dma_wait3A_163 = tpu.memref_slice %arg4[%add3A_161, %dma_wait3A_162] : memref<320000x128xf32, #tpu.memory_space<hbm>> -> memref<40x128xf32, #tpu.memory_space<hbm>>
    %dma_wait3A_164 = arith.constant 0 : i32
    %dma_wait3A_165 = tpu.memref_slice %arg4[%add3A_161, %dma_wait3A_164] : memref<320000x128xf32, #tpu.memory_space<hbm>> -> memref<40x128xf32, #tpu.memory_space<hbm>>
    tpu.wait_dma2 semaphore(%arg24 : memref<!tpu.dma_semaphore, #tpu.memory_space<semaphore_mem>>) src(%arg8 : memref<40x128xf32, #tpu.memory_space<vmem>>) dst(%dma_wait3A_165 : memref<40x128xf32, #tpu.memory_space<hbm>>)
    %dma_start3A_166 = arith.constant 9960 : i32
    %dma_start3A_167 = tpu.memref_slice %arg6[%dma_start3A_166] : memref<10000xi32, #tpu.memory_space<vmem>> -> memref<40xi32, #tpu.memory_space<vmem>>
    %dma_start3A_168 = arith.constant 0 : i32
    %dma_start3A_169 = arith.constant 0 : i32
    %dma_start3A_170 = tpu.memref_slice %arg5[%dma_start3A_168, %dma_start3A_169] : memref<10000x128xf32, #tpu.memory_space<vmem_shared>> -> memref<10000x128xf32, #tpu.memory_space<vmem_shared>>
    tpu.enqueue_indirect_dma source(%dma_start3A_170 : memref<10000x128xf32, #tpu.memory_space<vmem_shared>>) target(%arg8 : memref<40x128xf32, #tpu.memory_space<vmem>>) offsets(%dma_start3A_167 : memref<40xi32, #tpu.memory_space<vmem>>) semaphore(%arg16 : memref<!tpu.dma_semaphore, #tpu.memory_space<semaphore_mem>>)
    %dma_wait3A_171 = arith.constant 9920 : i32
    %dma_wait3A_172 = tpu.memref_slice %arg6[%dma_wait3A_171] : memref<10000xi32, #tpu.memory_space<vmem>> -> memref<40xi32, #tpu.memory_space<vmem>>
    %dma_wait3A_173 = arith.constant 0 : i32
    %dma_wait3A_174 = arith.constant 0 : i32
    %dma_wait3A_175 = tpu.memref_slice %arg5[%dma_wait3A_173, %dma_wait3A_174] : memref<10000x128xf32, #tpu.memory_space<vmem_shared>> -> memref<10000x128xf32, #tpu.memory_space<vmem_shared>>
    tpu.wait_indirect_dma semaphore(%arg15 : memref<!tpu.dma_semaphore, #tpu.memory_space<semaphore_mem>>) src(%dma_wait3A_175 : memref<10000x128xf32, #tpu.memory_space<vmem_shared>>) dst(%arg7 : memref<40x128xf32, #tpu.memory_space<vmem>>)
    %add3A_176 = arith.constant 9920 : i32
    %add3A_177 = arith.addi %mul3A_2, %add3A_176 : i32
    %dma_start3A_178 = arith.constant 0 : i32
    %dma_start3A_179 = tpu.memref_slice %arg4[%add3A_177, %dma_start3A_178] : memref<320000x128xf32, #tpu.memory_space<hbm>> -> memref<40x128xf32, #tpu.memory_space<hbm>>
    %dma_start3A_180 = arith.constant 0 : i32
    %dma_start3A_181 = tpu.memref_slice %arg4[%add3A_177, %dma_start3A_180] : memref<320000x128xf32, #tpu.memory_space<hbm>> -> memref<40x128xf32, #tpu.memory_space<hbm>>
    tpu.enqueue_dma source(%arg7 : memref<40x128xf32, #tpu.memory_space<vmem>>) target(%dma_start3A_181 : memref<40x128xf32, #tpu.memory_space<hbm>>) target_semaphore(%arg23 : memref<!tpu.dma_semaphore, #tpu.memory_space<semaphore_mem>>)
    %dma_wait3A_182 = arith.constant 9960 : i32
    %dma_wait3A_183 = tpu.memref_slice %arg6[%dma_wait3A_182] : memref<10000xi32, #tpu.memory_space<vmem>> -> memref<40xi32, #tpu.memory_space<vmem>>
    %dma_wait3A_184 = arith.constant 0 : i32
    %dma_wait3A_185 = arith.constant 0 : i32
    %dma_wait3A_186 = tpu.memref_slice %arg5[%dma_wait3A_184, %dma_wait3A_185] : memref<10000x128xf32, #tpu.memory_space<vmem_shared>> -> memref<10000x128xf32, #tpu.memory_space<vmem_shared>>
    tpu.wait_indirect_dma semaphore(%arg16 : memref<!tpu.dma_semaphore, #tpu.memory_space<semaphore_mem>>) src(%dma_wait3A_186 : memref<10000x128xf32, #tpu.memory_space<vmem_shared>>) dst(%arg8 : memref<40x128xf32, #tpu.memory_space<vmem>>)
    %add3A_187 = arith.constant 9960 : i32
    %add3A_188 = arith.addi %mul3A_2, %add3A_187 : i32
    %dma_start3A_189 = arith.constant 0 : i32
    %dma_start3A_190 = tpu.memref_slice %arg4[%add3A_188, %dma_start3A_189] : memref<320000x128xf32, #tpu.memory_space<hbm>> -> memref<40x128xf32, #tpu.memory_space<hbm>>
    %dma_start3A_191 = arith.constant 0 : i32
    %dma_start3A_192 = tpu.memref_slice %arg4[%add3A_188, %dma_start3A_191] : memref<320000x128xf32, #tpu.memory_space<hbm>> -> memref<40x128xf32, #tpu.memory_space<hbm>>
    tpu.enqueue_dma source(%arg8 : memref<40x128xf32, #tpu.memory_space<vmem>>) target(%dma_start3A_192 : memref<40x128xf32, #tpu.memory_space<hbm>>) target_semaphore(%arg24 : memref<!tpu.dma_semaphore, #tpu.memory_space<semaphore_mem>>)
    %add3A_193 = arith.constant 9920 : i32
    %add3A_194 = arith.addi %mul3A_2, %add3A_193 : i32
    %dma_wait3A_195 = arith.constant 0 : i32
    %dma_wait3A_196 = tpu.memref_slice %arg4[%add3A_194, %dma_wait3A_195] : memref<320000x128xf32, #tpu.memory_space<hbm>> -> memref<40x128xf32, #tpu.memory_space<hbm>>
    %dma_wait3A_197 = arith.constant 0 : i32
    %dma_wait3A_198 = tpu.memref_slice %arg4[%add3A_194, %dma_wait3A_197] : memref<320000x128xf32, #tpu.memory_space<hbm>> -> memref<40x128xf32, #tpu.memory_space<hbm>>
    tpu.wait_dma2 semaphore(%arg23 : memref<!tpu.dma_semaphore, #tpu.memory_space<semaphore_mem>>) src(%arg7 : memref<40x128xf32, #tpu.memory_space<vmem>>) dst(%dma_wait3A_198 : memref<40x128xf32, #tpu.memory_space<hbm>>)
    %add3A_199 = arith.constant 9960 : i32
    %add3A_200 = arith.addi %mul3A_2, %add3A_199 : i32
    %dma_wait3A_201 = arith.constant 0 : i32
    %dma_wait3A_202 = tpu.memref_slice %arg4[%add3A_200, %dma_wait3A_201] : memref<320000x128xf32, #tpu.memory_space<hbm>> -> memref<40x128xf32, #tpu.memory_space<hbm>>
    %dma_wait3A_203 = arith.constant 0 : i32
    %dma_wait3A_204 = tpu.memref_slice %arg4[%add3A_200, %dma_wait3A_203] : memref<320000x128xf32, #tpu.memory_space<hbm>> -> memref<40x128xf32, #tpu.memory_space<hbm>>
    tpu.wait_dma2 semaphore(%arg24 : memref<!tpu.dma_semaphore, #tpu.memory_space<semaphore_mem>>) src(%arg8 : memref<40x128xf32, #tpu.memory_space<vmem>>) dst(%dma_wait3A_204 : memref<40x128xf32, #tpu.memory_space<hbm>>)
    %add3A_205 = arith.constant 9680 : i32
    %add3A_206 = arith.addi %mul3A_2, %add3A_205 : i32
    %dma_wait3A_207 = arith.constant 0 : i32
    %dma_wait3A_208 = tpu.memref_slice %arg4[%add3A_206, %dma_wait3A_207] : memref<320000x128xf32, #tpu.memory_space<hbm>> -> memref<40x128xf32, #tpu.memory_space<hbm>>
    %dma_wait3A_209 = arith.constant 0 : i32
    %dma_wait3A_210 = tpu.memref_slice %arg4[%add3A_206, %dma_wait3A_209] : memref<320000x128xf32, #tpu.memory_space<hbm>> -> memref<40x128xf32, #tpu.memory_space<hbm>>
    tpu.wait_dma2 semaphore(%arg25 : memref<!tpu.dma_semaphore, #tpu.memory_space<semaphore_mem>>) src(%arg9 : memref<40x128xf32, #tpu.memory_space<vmem>>) dst(%dma_wait3A_210 : memref<40x128xf32, #tpu.memory_space<hbm>>)
    %add3A_211 = arith.constant 9720 : i32
    %add3A_212 = arith.addi %mul3A_2, %add3A_211 : i32
    %dma_wait3A_213 = arith.constant 0 : i32
    %dma_wait3A_214 = tpu.memref_slice %arg4[%add3A_212, %dma_wait3A_213] : memref<320000x128xf32, #tpu.memory_space<hbm>> -> memref<40x128xf32, #tpu.memory_space<hbm>>
    %dma_wait3A_215 = arith.constant 0 : i32
    %dma_wait3A_216 = tpu.memref_slice %arg4[%add3A_212, %dma_wait3A_215] : memref<320000x128xf32, #tpu.memory_space<hbm>> -> memref<40x128xf32, #tpu.memory_space<hbm>>
    tpu.wait_dma2 semaphore(%arg26 : memref<!tpu.dma_semaphore, #tpu.memory_space<semaphore_mem>>) src(%arg10 : memref<40x128xf32, #tpu.memory_space<vmem>>) dst(%dma_wait3A_216 : memref<40x128xf32, #tpu.memory_space<hbm>>)
    %add3A_217 = arith.constant 9760 : i32
    %add3A_218 = arith.addi %mul3A_2, %add3A_217 : i32
    %dma_wait3A_219 = arith.constant 0 : i32
    %dma_wait3A_220 = tpu.memref_slice %arg4[%add3A_218, %dma_wait3A_219] : memref<320000x128xf32, #tpu.memory_space<hbm>> -> memref<40x128xf32, #tpu.memory_space<hbm>>
    %dma_wait3A_221 = arith.constant 0 : i32
    %dma_wait3A_222 = tpu.memref_slice %arg4[%add3A_218, %dma_wait3A_221] : memref<320000x128xf32, #tpu.memory_space<hbm>> -> memref<40x128xf32, #tpu.memory_space<hbm>>
    tpu.wait_dma2 semaphore(%arg27 : memref<!tpu.dma_semaphore, #tpu.memory_space<semaphore_mem>>) src(%arg11 : memref<40x128xf32, #tpu.memory_space<vmem>>) dst(%dma_wait3A_222 : memref<40x128xf32, #tpu.memory_space<hbm>>)
    %add3A_223 = arith.constant 9800 : i32
    %add3A_224 = arith.addi %mul3A_2, %add3A_223 : i32
    %dma_wait3A_225 = arith.constant 0 : i32
    %dma_wait3A_226 = tpu.memref_slice %arg4[%add3A_224, %dma_wait3A_225] : memref<320000x128xf32, #tpu.memory_space<hbm>> -> memref<40x128xf32, #tpu.memory_space<hbm>>
    %dma_wait3A_227 = arith.constant 0 : i32
    %dma_wait3A_228 = tpu.memref_slice %arg4[%add3A_224, %dma_wait3A_227] : memref<320000x128xf32, #tpu.memory_space<hbm>> -> memref<40x128xf32, #tpu.memory_space<hbm>>
    tpu.wait_dma2 semaphore(%arg28 : memref<!tpu.dma_semaphore, #tpu.memory_space<semaphore_mem>>) src(%arg12 : memref<40x128xf32, #tpu.memory_space<vmem>>) dst(%dma_wait3A_228 : memref<40x128xf32, #tpu.memory_space<hbm>>)
    %add3A_229 = arith.constant 9840 : i32
    %add3A_230 = arith.addi %mul3A_2, %add3A_229 : i32
    %dma_wait3A_231 = arith.constant 0 : i32
    %dma_wait3A_232 = tpu.memref_slice %arg4[%add3A_230, %dma_wait3A_231] : memref<320000x128xf32, #tpu.memory_space<hbm>> -> memref<40x128xf32, #tpu.memory_space<hbm>>
    %dma_wait3A_233 = arith.constant 0 : i32
    %dma_wait3A_234 = tpu.memref_slice %arg4[%add3A_230, %dma_wait3A_233] : memref<320000x128xf32, #tpu.memory_space<hbm>> -> memref<40x128xf32, #tpu.memory_space<hbm>>
    tpu.wait_dma2 semaphore(%arg29 : memref<!tpu.dma_semaphore, #tpu.memory_space<semaphore_mem>>) src(%arg13 : memref<40x128xf32, #tpu.memory_space<vmem>>) dst(%dma_wait3A_234 : memref<40x128xf32, #tpu.memory_space<hbm>>)
    %add3A_235 = arith.constant 9880 : i32
    %add3A_236 = arith.addi %mul3A_2, %add3A_235 : i32
    %dma_wait3A_237 = arith.constant 0 : i32
    %dma_wait3A_238 = tpu.memref_slice %arg4[%add3A_236, %dma_wait3A_237] : memref<320000x128xf32, #tpu.memory_space<hbm>> -> memref<40x128xf32, #tpu.memory_space<hbm>>
    %dma_wait3A_239 = arith.constant 0 : i32
    %dma_wait3A_240 = tpu.memref_slice %arg4[%add3A_236, %dma_wait3A_239] : memref<320000x128xf32, #tpu.memory_space<hbm>> -> memref<40x128xf32, #tpu.memory_space<hbm>>
    tpu.wait_dma2 semaphore(%arg30 : memref<!tpu.dma_semaphore, #tpu.memory_space<semaphore_mem>>) src(%arg14 : memref<40x128xf32, #tpu.memory_space<vmem>>) dst(%dma_wait3A_240 : memref<40x128xf32, #tpu.memory_space<hbm>>)
    return
  }
}

</mosaic_0001>

<sc_bundles>
// kernel: kernel.3.cloned.1.call-start
scs
__scs_entry_jumppad:
0x0: {  	(pc) =	sbr.rel $0x88, $3  }
0x1: {  	(tag) =	ssettag $0x0;
	lr =	simm.s32 $0x1  }
0x2: {  	[smem:$0x3F9F] =	sst lr;
	_ =	strace $0xD0000000  }
0x3: {  	_ = 	snop  }
0x4: {  	_ = 	snop  }
0x5: {  	_ = 	snop  }
0x6: {  	_ = 	snop  }
0x7: {  	_ = 	snop  }
__scs_overlays_trampoline_lowered:
0x8: {  	[smem:$0x3FAE] =	sst s0  }
0x9: {  	[smem:$0x3FAF] =	sst s1  }
0xa: {  	[smem:$0x3FB0] =	sst s2  }
0xb: {  	[smem:$0x3FB1] =	sst s3  }
0xc: {  	[smem:$0x3FB2] =	sst s4  }
0xd: {  	[smem:$0x3FB3] =	sst s5  }
0xe: {  	[smem:$0x3FB4] =	sst s6  }
0xf: {  	[smem:$0x3FB5] =	sst s7  }
0x10: {  	[smem:$0x3FB6] =	sst s8  }
0x11: {  	[smem:$0x3FB7] =	sst s9;
	s0 =	simm.s32 @!p0 $0x0  }
0x12: {  	s1 =	sld [smem:$0x3F9D];
	s0 =	simm.s32 @p0 $0x1  }
0x13: {  	[smem:$0x3FB8] =	sst s0;
	s0 =	simm.s32 @!p1 $0x0  }
0x14: {  	s2 =	sld [smem:$0x3F9C];
	s0 =	simm.s32 @p1 $0x1  }
0x15: {  	[smem:$0x3FB9] =	sst s0;
	s0 =	simm.s32 @!p2 $0x0  }
0x16: {  	s3 =	sld [smem:$0x3FDB];
	s0 =	simm.s32 @p2 $0x1  }
0x17: {  	s4 =	simm.s32 $0x1BF5;
	[smem:$0x3FBB] =	sst s0  }
0x18: {  	s0 =	sld [smem:$0x3F9E];
	_ =	swait.ge [sflag:s4], $0x0  }
0x19: {  	s7 =	sld [smem:$0x3F9F]  }
0x1a: {  	s8 =	sadd.s32 $0xFFFFE003, lr  }
0x1b: {  	s9 =	sadd.s32 $0xFFFFFEF7, lr;
	s5 =	simm.s32 $0xFFFFFFFF;
	p2 =	slt.u32 s8, $0xFFFFF086  }
0x1c: {  	p1 =	slt.u32 s9, $0xF7A;
	s5 =	simm.s32 @!p2 $0x0  }
0x1d: {  	s5 =	simm.s32 @p1 $0x1;
	p0 =	seq.s32 s7, s2  }
0x1e: {  	s7 =	smul.u32 @!p0 $0xF7A, s2;
	p2 =	seq.s32 @!p0 s5, $0x0  }
0x1f: {  	s9 =	smul.u32 $0xF7A, s1;
	s8 =	simm.s32 @!p0 $0x1BF5;
	p2 =	por !p2, p0  }
0x20: {  	[sflag:s8] =	ssyncset.s32 @!p0 $0xFFFFF086;
	s6 =	sadd.s32 @!p0 s3, s7;
	s7 =	simm.s32 @!p0 $0x108  }
0x21: {  	s3 =	sadd.s32 s3, s9;
	s6 =	sadd.s32 @!p0 $0x88, s6;
	s7 =	simm.s32 @p2 $0x1082  }
0x22: {  	[simem:s7], [sflag:s8] =	dma.local @!p0 [hbm:s6], $0xF7A  }
0x23: {  	s9 =	sor.u32 $0xD0000000, s2;
	s6 =	simm.s32 $0x108;
	_ =	swait.ge @!p0 [sflag:s8], $0x0  }
0x24: {  	s3 =	sadd.s32 $0x88, s3;
	s6 =	simm.s32 @!p1 $0x1082;
	[sflag:s4] =	ssyncset.s32 $0xFFFFF086  }
0x25: {  	[simem:s6], [sflag:s4] =	dma.local [hbm:s3], $0xF7A  }
0x26: {  	[smem:$0x3F9F] =	sst s1;
	(tag) =	ssettag s2;
	_ =	strace s9  }
0x27: {  	s1 =	sld [smem:$0x3FAF]  }
0x28: {  	s2 =	sld [smem:$0x3FB0]  }
0x29: {  	s4 =	sld [smem:$0x3FB2]  }
0x2a: {  	p0 =	seq.s32 s5, $0x0;
	s5 =	sld [smem:$0x3FB3]  }
0x2b: {  	s6 =	sld [smem:$0x3FB4]  }
0x2c: {  	s7 =	sld [smem:$0x3FB5]  }
0x2d: {  	s3 =	simm.s32 $0x108;
	s8 =	sld [smem:$0x3FB6]  }
0x2e: {  	s3 =	simm.s32 @!p0 $0x1082;
	s9 =	sld [smem:$0x3FB7]  }
0x2f: {  	lr =	sadd.s32 s0, s3;
	s0 =	sld [smem:$0x3FAE]  }
0x30: {  	s3 =	sld [smem:$0x3FB1]  }
0x31: {  	[smem:$0x3FBA] =	sst s10  }
0x32: {  	s10 =	sld [smem:$0x3FB8];
	_ =	sdelay $0x3  }
0x33: {  	p0 =	seq.s32 s10, $0x1;
	s10 =	sld [smem:$0x3FBA];
	_ =	sdelay $0x3  }
0x34: {  	[smem:$0x3FBA] =	sst s10  }
0x35: {  	s10 =	sld [smem:$0x3FB9];
	_ =	sdelay $0x3  }
0x36: {  	p1 =	seq.s32 s10, $0x1;
	s10 =	sld [smem:$0x3FBA];
	_ =	sdelay $0x3  }
0x37: {  	[smem:$0x3FBA] =	sst s10  }
0x38: {  	s10 =	sld [smem:$0x3FBB]  }
0x39: {  	_ = 	snop;
	(pc) =	sbr.ind lr, $3  }
0x3a: {  	_ = 	snop  }
0x3b: {  	_ = 	snop  }
0x3c: {  	p2 =	seq.s32 s10, $0x1;
	s10 =	sld [smem:$0x3FBA]  }
0x3d: {  	_ =	shalt  }
0x3e: {  	_ =	shalt  }
0x3f: {  	_ =	shalt  }
0x40: {  	_ =	shalt  }
0x41: {  	_ =	shalt  }
0x42: {  	_ =	shalt  }
0x43: {  	_ =	shalt  }
0x44: {  	_ =	shalt  }
0x45: {  	_ =	shalt  }
0x46: {  	_ =	shalt  }
0x47: {  	_ =	shalt  }
0x48: {  	_ =	shalt  }
0x49: {  	_ =	shalt  }
0x4a: {  	_ =	shalt  }
0x4b: {  	_ =	shalt  }
0x4c: {  	_ =	shalt  }
0x4d: {  	_ =	shalt  }
0x4e: {  	_ =	shalt  }
0x4f: {  	_ =	shalt  }
0x50: {  	_ =	shalt  }
0x51: {  	_ =	shalt  }
0x52: {  	_ =	shalt  }
0x53: {  	_ =	shalt  }
0x54: {  	_ =	shalt  }
0x55: {  	_ =	shalt  }
0x56: {  	_ =	shalt  }
0x57: {  	_ =	shalt  }
0x58: {  	_ =	shalt  }
0x59: {  	_ =	shalt  }
0x5a: {  	_ =	shalt  }
0x5b: {  	_ =	shalt  }
0x5c: {  	_ =	shalt  }
0x5d: {  	_ =	shalt  }
0x5e: {  	_ =	shalt  }
0x5f: {  	_ =	shalt  }
0x60: {  	_ =	shalt  }
0x61: {  	_ =	shalt  }
0x62: {  	_ =	shalt  }
0x63: {  	_ =	shalt  }
0x64: {  	_ =	shalt  }
0x65: {  	_ =	shalt  }
0x66: {  	_ =	shalt  }
0x67: {  	_ =	shalt  }
0x68: {  	_ =	shalt  }
0x69: {  	_ =	shalt  }
0x6a: {  	_ =	shalt  }
0x6b: {  	_ =	shalt  }
0x6c: {  	_ =	shalt  }
0x6d: {  	_ =	shalt  }
0x6e: {  	_ =	shalt  }
0x6f: {  	_ =	shalt  }
0x70: {  	_ =	shalt  }
0x71: {  	_ =	shalt  }
0x72: {  	_ =	shalt  }
0x73: {  	_ =	shalt  }
0x74: {  	_ =	shalt  }
0x75: {  	_ =	shalt  }
0x76: {  	_ =	shalt  }
0x77: {  	_ =	shalt  }
0x78: {  	_ =	shalt  }
0x79: {  	_ =	shalt  }
0x7a: {  	_ =	shalt  }
0x7b: {  	_ =	shalt  }
0x7c: {  	_ =	shalt  }
0x7d: {  	_ =	shalt  }
0x7e: {  	_ =	shalt  }
0x7f: {  	_ =	shalt  }
0x80: {  	_ =	shalt  }
0x81: {  	_ =	shalt  }
0x82: {  	_ =	shalt  }
0x83: {  	_ =	shalt  }
0x84: {  	_ =	shalt  }
0x85: {  	_ =	shalt  }
0x86: {  	_ =	shalt  }
0x87: {  	_ =	shalt  }
.Lfunc_end0:
.L_simem_size_0:
called_computation_lowered:
.L_overlay_start_0:
0x88: {  	s2 =	sld [smem:$0x3FD9]  }
0x89: {  	s3 =	sld [smem:$0x3FFE];
	_ =	sdelay $0x1  }
0x8a: {  	s1 =	srdreg.scid  }
0x8b: {  	s0 =	sand.u32 $0x1, s1  }
0x8c: {  	s18 =	sshll.u32 s0, $0xA;
	s2 =	sadd.s32 s3, s2  }
0x8d: {  	s2 =	sadd.s32 s2, s18  }
0x8e: {  	[smem:$0x3FC6] =	sst s2  }
0x8f: {  	_ = 	snop  }
0x90: {  	s2 =	sld [smem:$0x3FC9]  }
0x91: {  	s19 =	sld [smem:$0x3FC8]  }
0x92: {  	s4 =	sld [smem:$0x3FD0];
	(tm) =	ssettm $0x1  }
0x93: {  	s5 =	sld [smem:$0x3FFB];
	_ =	sdelay $0x3  }
0x94: {  	_ =	strace s5  }
0x95: {  	s5 =	sld [smem:$0x3FFC];
	_ =	sdelay $0x3  }
0x96: {  	_ =	strace s5  }
0x97: {  	s5 =	sld [smem:$0x3FFD];
	_ =	sdelay $0x3  }
0x98: {  	_ =	strace s5  }
0x99: {  	_ =	strace $0x8FFFFFFF  }
0x9a: {  	s20 =	sld [smem:$0x3FDB];
	_ =	sdelay $0x1  }
0x9b: {  	s6 =	simm.s32 $_scs_section_size  }
0x9c: {  	s7 =	simm.s32 $_size__tile_overlayer_lowered;
	s8 =	simm.s32 $_tile_overlayer_lowered  }
0x9d: {  	s23 =	simm.s32 $0x1BFF;
	s22 =	sshll.u32 s8, $0x1;
	s5 =	sadd.s32 s6, s20  }
0x9e: {  	s9 =	simm.s32 $0x0;
	s21 =	sshll.u32 s7, $0x1;
	s7 =	sadd.s32 s22, s5  }
0x9f: {  	[timem:s9], [sflag:s23] =	dma.local [hbm:s7], s21  }
0xa0: {  	_ =	swait.ge [sflag:s23], s21  }
0xa1: {  	s6 =	ssub.s32 $0x0, s21;
	[sflag:s23] =	ssyncset.done $0x0  }
0xa2: {  	[sflag:s23] =	ssyncadd.s32 s6;
	_ =	sdelay $0x1  }
0xa3: {  	s24 =	simm.s32 $0x1B8B  }
0xa4: {  	_ =	swait.ge [sflag:s24], $0x1  }
0xa5: {  	[sflag:s24] =	ssyncset.done $0x0  }
0xa6: {  	s25 =	simm.s32 $0x1B8E;
	[sflag:s24] =	ssyncadd.s32 $0xFFFFFFFF  }
0xa7: {  	s26 =	simm.s32 $execute0_lowered;
	[smem:$0x3FD2] =	sst s25  }
0xa8: {  	s6 =	sshll.u32 s26, $0x1;
	_ =	strace $0x80000046;
	[dreg:$0x1] =	wrdreg $0xFFFFFFFF  }
0xa9: {  	s28 =	simm.s32 $_size_execute0_lowered;
	s5 =	sadd.s32 s5, s6;
	[dreg:$0x0] =	wrdreg $0x0  }
0xaa: {  	s6 =	sshll.u32 s28, $0x1;
	[dreg:$0x2] =	wrdreg s5  }
0xab: {  	[dreg:$0x3] =	wrdreg s6  }
0xac: {  	[dreg:$0x4] =	wrdreg $0xC0  }
0xad: {  	_ =	task [dreg:s9], $0x5FFFF  }
0xae: {  	[dreg:$0x1] =	wrdreg $0xFFFFFFFF  }
0xaf: {  	[dreg:$0x0] =	wrdreg $0x60  }
0xb0: {  	[dreg:$0x2] =	wrdreg s2  }
0xb1: {  	[dreg:$0x3] =	wrdreg s19  }
0xb2: {  	[dreg:$0x4] =	wrdreg s4  }
0xb3: {  	[dreg:$0x5] =	wrdreg $0x0  }
0xb4: {  	[dreg:$0x6] =	wrdreg $0x9  }
0xb5: {  	_ =	task.clear_ibuf [dreg:s9], $0x7FFFF;
	_ =	strace $0x90000046  }
0xb6: {  	s29 =	simm.s32 $0x9;
	_ =	strace $0x80000048  }
0xb7: {  	_ =	swait.ge [sflag:s29], $0x1  }
0xb8: {  	[sflag:s29] =	ssyncadd.s32 $0xFFFFFFFF  }
0xb9: {  	_ =	strace $0x90000048  }
0xba: {  	_ =	sfence  }
0xbb: {  	s30 =	sld [smem:$0x0];
	_ =	sdelay $0x2  }
0xbc: {  	s31 =	sshll.u32 s1, $0xD;
	s1 =	sshrl.u32 s1, $0x2  }
0xbd: {  	s3 =	sand.u32 $0x4000, s31;
	s1 =	sadd.s32 s1, s30  }
0xbe: {  	s0 =	sor.u32 s3, s0;
	s1 =	sshll.u32 s1, $0x11  }
0xbf: {  	s0 =	sor.u32 s1, s0  }
0xc0: {  	s0 =	sadd.s32 $0x8F2B, s0  }
0xc1: {  	[sflag:s0] =	ssyncadd.remote.s32 $0x1  }
0xc2: {  	_ =	sfence.sel $0xFFFF  }
0xc3: {  	[dreg:$0x0] =	wrdreg $0xFFFFFFFF;
	(pc) =	sbr.abs _section_cstart, $3  }
0xc4: {  	[dreg:$0x1] =	wrdreg $0xFFFFFFFF  }
0xc5: {  	_ =	task.clear_ibuf [dreg:s9], $0x2FFFF;
	_ =	strace $0x9FFFFFFF  }
0xc6: {  	(tm) =	ssettm $0x7FFFFFFF  }
0xc7: {  	_ =	shalt  }
tec
execute0_lowered:
.L_overlay_start_1:
0x0: {  	(tag) =	ssettag $0x1  }
0x1: {  	s11 =	rddreg [dreg:$0x0]  }
0x2: {  	s0 =	rddreg [dreg:$0x1]  }
0x3: {  	s1 =	rddreg [dreg:$0x2]  }
0x4: {  	s3 =	rddreg [dreg:$0x3]  }
0x5: {  	s2 =	srdreg.scid;
	s12 =	stileid.u32  }
0x6: {  	s4 =	simm.s32 $0x0;
	s28 =	simm.s32 $0x17400;
	s30 =	simm.s32 $0x18800  }
0x7: {  	s31 =	simm.s32 $0x1C400;
	s29 =	simm.s32 $0x1D800;
	s6 =	smul.u32 $0x4E000, s12  }
0x8: {  	s2 =	sand.u32 $0x1, s2;
	s5 =	sshll.u32 s12, $0x1;
	s10 =	smul.u32 $0x2700, s12  }
0x9: {  	[smem:$0x7FF] =	sst s4;
	s21 =	smul.u32 $0x4E200, s12;
	p0 =	seq.s32 s12, $0xF  }
0xa: {  	s5 =	sor.u32 s2, s5;
	s7 =	ssub.s32 $0x2, s2;
	s2 =	smul.u32 $0x27100, s2  }
0xb: {  	_ =	strace $0x80000047;
	s8 =	smul.u32 $0x2710, s5;
	s9 =	sshrl.u32 s7, $0x1  }
0xc: {  	s6 =	sshrl.u32 s6, $0x2;
	s13 =	smul.u32 $0x138800, s5;
	s10 =	sadd.s32 s11, s10  }
0xd: {  	s5 =	smul.u32 $0x27100, s5;
	s11 =	sadd.s32 $0x24900, s11;
	s25 =	sadd.s32 s21, s1  }
0xe: {  	s7 =	ssub.s32 s7, s9;
	s6 =	sadd.s32 s6, s3;
	[dreg:$0x6] =	wrdreg s10  }
0xf: {  	[dreg:$0x7] =	wrdreg s11;
	s8 =	sshrl.u32 s8, $0x3;
	s14 =	sadd.s32 s1, s5  }
0x10: {  	s9 =	sshrl.u32 s13, $0x3;
	s26 =	smax.u32 s7, $0x1;
	[dreg:$0x9] =	wrdreg s14  }
0x11: {  	s0 =	sadd.s32 s0, s8;
	s15 =	sadd.s32 s1, s9;
	[dreg:$0x13] =	wrdreg s26  }
0x12: {  	s10 =	sadd.s32 $0x124800, s3;
	[dreg:$0x8] =	wrdreg s0;
	s16 =	sadd.s32 $0x280, s15  }
0x13: {  	s11 =	simm.s32 $0x7;
	s17 =	sadd.s32 $0x500, s15;
	[dreg:$0xa] =	wrdreg s16  }
0x14: {  	s5 =	simm.s32 $0x1;
	s18 =	sadd.s32 $0x780, s15;
	[dreg:$0xb] =	wrdreg s17  }
0x15: {  	s7 =	simm.s32 $0x3;
	s19 =	sadd.s32 $0xA00, s15;
	[dreg:$0xc] =	wrdreg s18  }
0x16: {  	s13 =	simm.s32 $0x9;
	s20 =	sadd.s32 $0xC80, s15;
	[dreg:$0xd] =	wrdreg s19  }
0x17: {  	s26 =	simm.s32 $0x1B000;
	s22 =	sadd.s32 $0xF00, s15;
	[dreg:$0xe] =	wrdreg s20  }
0x18: {  	s8 =	simm.s32 $0x4;
	s23 =	sadd.s32 $0x1180, s15;
	[dreg:$0xf] =	wrdreg s22  }
0x19: {  	s9 =	simm.s32 $0x5;
	s24 =	sadd.s32 $0x26C00, s15;
	[dreg:$0x10] =	wrdreg s23  }
0x1a: {  	s14 =	simm.s32 $0xA;
	s0 =	sadd.s32 $0x26E80, s15;
	[dreg:$0x11] =	wrdreg s24  }
0x1b: {  	s15 =	simm.s32 $0xB;
	[dreg:$0x12] =	wrdreg s0;
	s0 =	sadd.s32 s2, s25  }
0x1c: {  	s24 =	simm.s32 $0x28;
	s25 =	simm.s32 $0x16000;
	s2 =	simm.s32 $0x1EC00  }
0x1d: {  	s16 =	simm.s32 $0xC;
	s17 =	simm.s32 $0xD;
	s18 =	simm.s32 $0xE  }
0x1e: {  	s22 =	simm.s32 $0xF;
	[dreg:$0x5] =	wrdreg s0;
	s0 =	sshrl.u32 @p0 s10, $0x3  }
0x1f: {  	s19 =	simm.s32 $0x10;
	[dreg:$0x14] =	wrdreg s0;
	s0 =	sshll.u32 @!p0 s12, $0x6  }
0x20: {  	s20 =	simm.s32 $0x0;
	s10 =	simm.s32 $0x6;
	s0 =	sor.u32 @!p0 $0x1C11, s0  }
0x21: {  	s12 =	simm.s32 $0x8;
	[dreg:$0x15] =	wrdreg s0;
	s0 =	sshrl.u32 @!p0 s6, $0x3  }
0x22: {  	s6 =	simm.s32 $0x2;
	[dreg:$0x16] =	wrdreg s0;
	s0 =	simm.s32 $0x19C00  }
.LBB2_1:
0x23: {  	[dreg:$0x17] =	wrdreg s20  }
0x24: {  	s20 =	rddreg [dreg:$0x7]  }
0x25: {  	s1 =	simm.s32 @p0 $0x1FD1;
	s21 =	rddreg [dreg:$0x14]  }
0x26: {  	[spmem:s21], [sflag:s1] =	dma.local @p0 [hbm:s20], $0x2800  }
0x27: {  	s1 =	rddreg [dreg:$0x6]  }
0x28: {  	s20 =	rddreg [dreg:$0x15]  }
0x29: {  	s21 =	rddreg [dreg:$0x16]  }
0x2a: {  	[spmem:s21], [sflag:s20] =	dma.local @!p0 [hbm:s1], $0x2700  }
0x2b: {  	s23 =	simm.s32 $0x13880;
	s21 =	simm.s32 $0x12;
	s1 =	rddreg [dreg:$0x8]  }
0x2c: {  	[tilespmem:s23], [sflag:$0x12] =	stream.linear.gather [hbm4b:s1+s4], $0x2710, $0x38;
	v63 =	vld [tilespmem:$0x0]  }
0x2d: {  	_ =	swait.ge [sflag:s21], $0x2710  }
0x2e: {  	[sflag:s21] =	ssyncset.done $0x0  }
0x2f: {  	[sflag:s21] =	ssyncadd.s32 $0xFFFFD8F0  }
0x30: {  	s1 =	rddreg [dreg:$0x0]  }
0x31: {  	[tilespmem:s25], [sflag:$0x1] =	stream.indirect.gather [hbm4b:s1+s24], $0x80, s23, s24, $0xb8;
	v63 =	vld [tilespmem:$0x0]  }
0x32: {  	s23 =	simm.s32 $0x138A8  }
0x33: {  	[tilespmem:s28], [sflag:$0x2] =	stream.indirect.gather [hbm4b:s1+s24], $0x80, s23, s24, $0xb8;
	v63 =	vld [tilespmem:$0x0]  }
0x34: {  	s21 =	simm.s32 $0x138D0  }
0x35: {  	[tilespmem:s30], [sflag:$0x3] =	stream.indirect.gather [hbm4b:s1+s24], $0x80, s21, s24, $0xb8;
	v63 =	vld [tilespmem:$0x0]  }
0x36: {  	s23 =	simm.s32 $0x138F8  }
0x37: {  	[tilespmem:s0], [sflag:$0x4] =	stream.indirect.gather [hbm4b:s1+s24], $0x80, s23, s24, $0xb8;
	v63 =	vld [tilespmem:$0x0]  }
0x38: {  	s21 =	simm.s32 $0x13920  }
0x39: {  	[tilespmem:s26], [sflag:$0x5] =	stream.indirect.gather [hbm4b:s1+s24], $0x80, s21, s24, $0xb8;
	v63 =	vld [tilespmem:$0x0]  }
0x3a: {  	s23 =	simm.s32 $0x13948  }
0x3b: {  	[tilespmem:s31], [sflag:$0x6] =	stream.indirect.gather [hbm4b:s1+s24], $0x80, s23, s24, $0xb8;
	v63 =	vld [tilespmem:$0x0]  }
0x3c: {  	s21 =	simm.s32 $0x13970  }
0x3d: {  	[tilespmem:s29], [sflag:$0x7] =	stream.indirect.gather [hbm4b:s1+s24], $0x80, s21, s24, $0xb8;
	v63 =	vld [tilespmem:$0x0]  }
0x3e: {  	s23 =	simm.s32 $0x13998  }
0x3f: {  	[tilespmem:s2], [sflag:$0x8] =	stream.indirect.gather [hbm4b:s1+s24], $0x80, s23, s24, $0xb8;
	v63 =	vld [tilespmem:$0x0]  }
0x40: {  	s1 =	simm.s32 @p0 $0x11  }
0x41: {  	_ =	swait.ge @p0 [sflag:s1], $0x2800  }
0x42: {  	[sflag:s1] =	ssyncset.done @p0 $0x0  }
0x43: {  	[sflag:s1] =	ssyncadd.s32 @p0 $0xFFFFD800;
	s1 =	simm.s32 @!p0 $0x11  }
0x44: {  	_ =	swait.ge @!p0 [sflag:s1], $0x2700  }
0x45: {  	[sflag:s1] =	ssyncset.done @!p0 $0x0  }
0x46: {  	[sflag:s1] =	ssyncadd.s32 @!p0 $0xFFFFD900  }
0x47: {  	[bflag:$0x0] =	sbarrier.arrive $0xFFFF  }
0x48: {  	_ =	swait.ge [sflag:s5], $0x1400  }
0x49: {  	[sflag:s5] =	ssyncset.done $0x0  }
0x4a: {  	s20 =	rddreg [dreg:$0x9];
	[sflag:s5] =	ssyncadd.s32 $0xFFFFEC00  }
0x4b: {  	[hbm4b:s20+s4] =	stream.linear.scatter [tilespmem:s25], [sflag:$0x9], $0x1400, $0x38;
	v63 =	vld [tilespmem:$0x0]  }
0x4c: {  	_ =	swait.ge [sflag:s6], $0x1400  }
0x4d: {  	[sflag:s6] =	ssyncset.done $0x0  }
0x4e: {  	s21 =	rddreg [dreg:$0xa];
	[sflag:s6] =	ssyncadd.s32 $0xFFFFEC00  }
0x4f: {  	[hbm4b:s21+s4] =	stream.linear.scatter [tilespmem:s28], [sflag:$0xA], $0x1400, $0x38;
	v63 =	vld [tilespmem:$0x0]  }
0x50: {  	_ =	swait.ge [sflag:s7], $0x1400  }
0x51: {  	[sflag:s7] =	ssyncset.done $0x0  }
0x52: {  	s23 =	rddreg [dreg:$0xb];
	[sflag:s7] =	ssyncadd.s32 $0xFFFFEC00  }
0x53: {  	[hbm4b:s23+s4] =	stream.linear.scatter [tilespmem:s30], [sflag:$0xB], $0x1400, $0x38;
	v63 =	vld [tilespmem:$0x0]  }
0x54: {  	_ =	swait.ge [sflag:s8], $0x1400  }
0x55: {  	[sflag:s8] =	ssyncset.done $0x0  }
0x56: {  	s20 =	rddreg [dreg:$0xc];
	[sflag:s8] =	ssyncadd.s32 $0xFFFFEC00  }
0x57: {  	[hbm4b:s20+s4] =	stream.linear.scatter [tilespmem:s0], [sflag:$0xC], $0x1400, $0x38;
	v63 =	vld [tilespmem:$0x0]  }
0x58: {  	_ =	swait.ge [sflag:s9], $0x1400  }
0x59: {  	[sflag:s9] =	ssyncset.done $0x0  }
0x5a: {  	s21 =	rddreg [dreg:$0xd];
	[sflag:s9] =	ssyncadd.s32 $0xFFFFEC00  }
0x5b: {  	[hbm4b:s21+s4] =	stream.linear.scatter [tilespmem:s26], [sflag:$0xD], $0x1400, $0x38;
	v63 =	vld [tilespmem:$0x0]  }
0x5c: {  	_ =	swait.ge [sflag:s10], $0x1400  }
0x5d: {  	[sflag:s10] =	ssyncset.done $0x0  }
0x5e: {  	s23 =	rddreg [dreg:$0xe];
	[sflag:s10] =	ssyncadd.s32 $0xFFFFEC00  }
0x5f: {  	[hbm4b:s23+s4] =	stream.linear.scatter [tilespmem:s31], [sflag:$0xE], $0x1400, $0x38;
	v63 =	vld [tilespmem:$0x0]  }
0x60: {  	_ =	swait.ge [sflag:s11], $0x1400  }
0x61: {  	[sflag:s11] =	ssyncset.done $0x0  }
0x62: {  	s20 =	rddreg [dreg:$0xf];
	[sflag:s11] =	ssyncadd.s32 $0xFFFFEC00  }
0x63: {  	[hbm4b:s20+s4] =	stream.linear.scatter [tilespmem:s29], [sflag:$0xF], $0x1400, $0x38;
	v63 =	vld [tilespmem:$0x0]  }
0x64: {  	_ =	swait.ge [sflag:s12], $0x1400  }
0x65: {  	[sflag:s12] =	ssyncset.done $0x0  }
0x66: {  	s21 =	rddreg [dreg:$0x10];
	[sflag:s12] =	ssyncadd.s32 $0xFFFFEC00  }
0x67: {  	[hbm4b:s21+s4] =	stream.linear.scatter [tilespmem:s2], [sflag:$0x10], $0x1400, $0x38;
	v63 =	vld [tilespmem:$0x0]  }
0x68: {  	_ =	swait.ge [sflag:s13], $0x1400  }
0x69: {  	[sflag:s13] =	ssyncset.done $0x0  }
0x6a: {  	s23 =	simm.s32 $0x139C0;
	[sflag:s13] =	ssyncadd.s32 $0xFFFFEC00  }
0x6b: {  	[tilespmem:s25], [sflag:$0x1] =	stream.indirect.gather [spmem:s3], $0x80, s23, s24, $0xb8;
	v63 =	vld [tilespmem:$0x0]  }
0x6c: {  	_ =	swait.ge [sflag:s14], $0x1400  }
0x6d: {  	[sflag:s14] =	ssyncset.done $0x0  }
0x6e: {  	s20 =	simm.s32 $0x139E8;
	[sflag:s14] =	ssyncadd.s32 $0xFFFFEC00  }
0x6f: {  	[tilespmem:s28], [sflag:$0x2] =	stream.indirect.gather [spmem:s3], $0x80, s20, s24, $0xb8;
	v63 =	vld [tilespmem:$0x0]  }
0x70: {  	_ =	swait.ge [sflag:s15], $0x1400  }
0x71: {  	[sflag:s15] =	ssyncset.done $0x0  }
0x72: {  	s21 =	simm.s32 $0x13A10;
	[sflag:s15] =	ssyncadd.s32 $0xFFFFEC00  }
0x73: {  	[tilespmem:s30], [sflag:$0x3] =	stream.indirect.gather [spmem:s3], $0x80, s21, s24, $0xb8;
	v63 =	vld [tilespmem:$0x0]  }
0x74: {  	_ =	swait.ge [sflag:s16], $0x1400  }
0x75: {  	[sflag:s16] =	ssyncset.done $0x0  }
0x76: {  	s23 =	simm.s32 $0x13A38;
	[sflag:s16] =	ssyncadd.s32 $0xFFFFEC00  }
0x77: {  	[tilespmem:s0], [sflag:$0x4] =	stream.indirect.gather [spmem:s3], $0x80, s23, s24, $0xb8;
	v63 =	vld [tilespmem:$0x0]  }
0x78: {  	_ =	swait.ge [sflag:s17], $0x1400  }
0x79: {  	[sflag:s17] =	ssyncset.done $0x0  }
0x7a: {  	s20 =	simm.s32 $0x13A60;
	[sflag:s17] =	ssyncadd.s32 $0xFFFFEC00  }
0x7b: {  	[tilespmem:s26], [sflag:$0x5] =	stream.indirect.gather [spmem:s3], $0x80, s20, s24, $0xb8;
	v63 =	vld [tilespmem:$0x0]  }
0x7c: {  	_ =	swait.ge [sflag:s18], $0x1400  }
0x7d: {  	[sflag:s18] =	ssyncset.done $0x0  }
0x7e: {  	s21 =	simm.s32 $0x13A88;
	[sflag:s18] =	ssyncadd.s32 $0xFFFFEC00  }
0x7f: {  	[tilespmem:s31], [sflag:$0x6] =	stream.indirect.gather [spmem:s3], $0x80, s21, s24, $0xb8;
	v63 =	vld [tilespmem:$0x0]  }
0x80: {  	_ =	swait.ge [sflag:s22], $0x1400  }
0x81: {  	[sflag:s22] =	ssyncset.done $0x0  }
0x82: {  	s23 =	simm.s32 $0x13AB0;
	[sflag:s22] =	ssyncadd.s32 $0xFFFFEC00  }
0x83: {  	[tilespmem:s29], [sflag:$0x7] =	stream.indirect.gather [spmem:s3], $0x80, s23, s24, $0xb8;
	v63 =	vld [tilespmem:$0x0]  }
0x84: {  	_ =	swait.ge [sflag:s19], $0x1400  }
0x85: {  	[sflag:s19] =	ssyncset.done $0x0  }
0x86: {  	s20 =	simm.s32 $0x13AD8;
	[sflag:s19] =	ssyncadd.s32 $0xFFFFEC00  }
0x87: {  	[tilespmem:s2], [sflag:$0x8] =	stream.indirect.gather [spmem:s3], $0x80, s20, s24, $0xb8;
	v63 =	vld [tilespmem:$0x0]  }
0x88: {  	_ =	swait.ge [sflag:s5], $0x1400  }
0x89: {  	s21 =	rddreg [dreg:$0x5]  }
0x8a: {  	[sflag:s5] =	ssyncset.done $0x0;
	s1 =	sadd.s32 $0x0, s21  }
0x8b: {  	[sflag:s5] =	ssyncadd.s32 $0xFFFFEC00;
	s23 =	sadd.s32 $0x1400, s1  }
0x8c: {  	[hbm4b:s23+s4] =	stream.linear.scatter [tilespmem:s25], [sflag:$0x9], $0x1400, $0x38;
	v63 =	vld [tilespmem:$0x0]  }
0x8d: {  	_ =	swait.ge [sflag:s6], $0x1400  }
0x8e: {  	[sflag:s6] =	ssyncset.done $0x0  }
0x8f: {  	s20 =	sadd.s32 $0x1680, s1;
	[sflag:s6] =	ssyncadd.s32 $0xFFFFEC00  }
0x90: {  	[hbm4b:s20+s4] =	stream.linear.scatter [tilespmem:s28], [sflag:$0xA], $0x1400, $0x38;
	v63 =	vld [tilespmem:$0x0]  }
0x91: {  	_ =	swait.ge [sflag:s7], $0x1400  }
0x92: {  	[sflag:s7] =	ssyncset.done $0x0  }
0x93: {  	s23 =	sadd.s32 $0x1900, s1;
	[sflag:s7] =	ssyncadd.s32 $0xFFFFEC00  }
0x94: {  	[hbm4b:s23+s4] =	stream.linear.scatter [tilespmem:s30], [sflag:$0xB], $0x1400, $0x38;
	v63 =	vld [tilespmem:$0x0]  }
0x95: {  	_ =	swait.ge [sflag:s8], $0x1400  }
0x96: {  	[sflag:s8] =	ssyncset.done $0x0  }
0x97: {  	s20 =	sadd.s32 $0x1B80, s1;
	[sflag:s8] =	ssyncadd.s32 $0xFFFFEC00  }
0x98: {  	[hbm4b:s20+s4] =	stream.linear.scatter [tilespmem:s0], [sflag:$0xC], $0x1400, $0x38;
	v63 =	vld [tilespmem:$0x0]  }
0x99: {  	_ =	swait.ge [sflag:s9], $0x1400  }
0x9a: {  	[sflag:s9] =	ssyncset.done $0x0  }
0x9b: {  	s23 =	sadd.s32 $0x1E00, s1;
	[sflag:s9] =	ssyncadd.s32 $0xFFFFEC00  }
0x9c: {  	[hbm4b:s23+s4] =	stream.linear.scatter [tilespmem:s26], [sflag:$0xD], $0x1400, $0x38;
	v63 =	vld [tilespmem:$0x0]  }
0x9d: {  	_ =	swait.ge [sflag:s10], $0x1400  }
0x9e: {  	[sflag:s10] =	ssyncset.done $0x0  }
0x9f: {  	s20 =	sadd.s32 $0x2080, s1;
	[sflag:s10] =	ssyncadd.s32 $0xFFFFEC00  }
0xa0: {  	[hbm4b:s20+s4] =	stream.linear.scatter [tilespmem:s31], [sflag:$0xE], $0x1400, $0x38;
	v63 =	vld [tilespmem:$0x0]  }
0xa1: {  	_ =	swait.ge [sflag:s11], $0x1400  }
0xa2: {  	[sflag:s11] =	ssyncset.done $0x0  }
0xa3: {  	s23 =	sadd.s32 $0x2300, s1;
	[sflag:s11] =	ssyncadd.s32 $0xFFFFEC00  }
0xa4: {  	[hbm4b:s23+s4] =	stream.linear.scatter [tilespmem:s29], [sflag:$0xF], $0x1400, $0x38;
	v63 =	vld [tilespmem:$0x0]  }
0xa5: {  	_ =	swait.ge [sflag:s12], $0x1400  }
0xa6: {  	s21 =	simm.s32 $0x1400;
	[sflag:s12] =	ssyncset.done $0x0  }
0xa7: {  	s1 =	sadd.s32 $0x2580, s1;
	s23 =	simm.s32 $0x13C18;
	[sflag:s12] =	ssyncadd.s32 $0xFFFFEC00  }
.LBB2_2:
0xa8: {  	[hbm4b:s1+s4] =	stream.linear.scatter [tilespmem:s2], [sflag:$0x10], $0x1400, $0x38;
	v63 =	vld [tilespmem:$0x0]  }
0xa9: {  	_ =	swait.ge [sflag:s13], $0x1400  }
0xaa: {  	[sflag:s13] =	ssyncset.done $0x0  }
0xab: {  	s20 =	sadd.s32 $0xFFFFFEE8, s23;
	[sflag:s13] =	ssyncadd.s32 $0xFFFFEC00  }
0xac: {  	[tilespmem:s25], [sflag:$0x1] =	stream.indirect.gather [spmem:s3], $0x80, s20, s24, $0xb8;
	v63 =	vld [tilespmem:$0x0]  }
0xad: {  	_ =	swait.ge [sflag:s14], $0x1400  }
0xae: {  	[sflag:s14] =	ssyncset.done $0x0  }
0xaf: {  	s20 =	sadd.s32 $0xFFFFFF10, s23;
	[sflag:s14] =	ssyncadd.s32 $0xFFFFEC00  }
0xb0: {  	[tilespmem:s28], [sflag:$0x2] =	stream.indirect.gather [spmem:s3], $0x80, s20, s24, $0xb8;
	v63 =	vld [tilespmem:$0x0]  }
0xb1: {  	_ =	swait.ge [sflag:s15], $0x1400  }
0xb2: {  	[sflag:s15] =	ssyncset.done $0x0  }
0xb3: {  	s20 =	sadd.s32 $0xFFFFFF38, s23;
	[sflag:s15] =	ssyncadd.s32 $0xFFFFEC00  }
0xb4: {  	[tilespmem:s30], [sflag:$0x3] =	stream.indirect.gather [spmem:s3], $0x80, s20, s24, $0xb8;
	v63 =	vld [tilespmem:$0x0]  }
0xb5: {  	_ =	swait.ge [sflag:s16], $0x1400  }
0xb6: {  	[sflag:s16] =	ssyncset.done $0x0  }
0xb7: {  	s20 =	sadd.s32 $0xFFFFFF60, s23;
	[sflag:s16] =	ssyncadd.s32 $0xFFFFEC00  }
0xb8: {  	[tilespmem:s0], [sflag:$0x4] =	stream.indirect.gather [spmem:s3], $0x80, s20, s24, $0xb8;
	v63 =	vld [tilespmem:$0x0]  }
0xb9: {  	_ =	swait.ge [sflag:s17], $0x1400  }
0xba: {  	[sflag:s17] =	ssyncset.done $0x0  }
0xbb: {  	s20 =	sadd.s32 $0xFFFFFF88, s23;
	[sflag:s17] =	ssyncadd.s32 $0xFFFFEC00  }
0xbc: {  	[tilespmem:s26], [sflag:$0x5] =	stream.indirect.gather [spmem:s3], $0x80, s20, s24, $0xb8;
	v63 =	vld [tilespmem:$0x0]  }
0xbd: {  	_ =	swait.ge [sflag:s18], $0x1400  }
0xbe: {  	[sflag:s18] =	ssyncset.done $0x0  }
0xbf: {  	s20 =	sadd.s32 $0xFFFFFFB0, s23;
	[sflag:s18] =	ssyncadd.s32 $0xFFFFEC00  }
0xc0: {  	[tilespmem:s31], [sflag:$0x6] =	stream.indirect.gather [spmem:s3], $0x80, s20, s24, $0xb8;
	v63 =	vld [tilespmem:$0x0]  }
0xc1: {  	_ =	swait.ge [sflag:s22], $0x1400  }
0xc2: {  	[sflag:s22] =	ssyncset.done $0x0  }
0xc3: {  	s20 =	sadd.s32 $0xFFFFFFD8, s23;
	[sflag:s22] =	ssyncadd.s32 $0xFFFFEC00  }
0xc4: {  	[tilespmem:s29], [sflag:$0x7] =	stream.indirect.gather [spmem:s3], $0x80, s20, s24, $0xb8;
	v63 =	vld [tilespmem:$0x0]  }
0xc5: {  	_ =	swait.ge [sflag:s19], $0x1400  }
0xc6: {  	[sflag:s19] =	ssyncset.done $0x0  }
0xc7: {  	[sflag:s19] =	ssyncadd.s32 $0xFFFFEC00  }
0xc8: {  	[tilespmem:s2], [sflag:$0x8] =	stream.indirect.gather [spmem:s3], $0x80, s23, s24, $0xb8;
	v63 =	vld [tilespmem:$0x0]  }
0xc9: {  	_ =	swait.ge [sflag:s5], $0x1400  }
0xca: {  	s1 =	smov.u32 s21;
	s20 =	rddreg [dreg:$0x5]  }
0xcb: {  	[sflag:s5] =	ssyncset.done $0x0;
	s1 =	sadd.s32 s1, s20  }
0xcc: {  	[sflag:s5] =	ssyncadd.s32 $0xFFFFEC00;
	s20 =	sadd.s32 $0x1400, s1  }
0xcd: {  	[hbm4b:s20+s4] =	stream.linear.scatter [tilespmem:s25], [sflag:$0x9], $0x1400, $0x38;
	v63 =	vld [tilespmem:$0x0]  }
0xce: {  	_ =	swait.ge [sflag:s6], $0x1400  }
0xcf: {  	[sflag:s6] =	ssyncset.done $0x0  }
0xd0: {  	s20 =	sadd.s32 $0x1680, s1;
	[sflag:s6] =	ssyncadd.s32 $0xFFFFEC00  }
0xd1: {  	[hbm4b:s20+s4] =	stream.linear.scatter [tilespmem:s28], [sflag:$0xA], $0x1400, $0x38;
	v63 =	vld [tilespmem:$0x0]  }
0xd2: {  	_ =	swait.ge [sflag:s7], $0x1400  }
0xd3: {  	[sflag:s7] =	ssyncset.done $0x0  }
0xd4: {  	s20 =	sadd.s32 $0x1900, s1;
	[sflag:s7] =	ssyncadd.s32 $0xFFFFEC00  }
0xd5: {  	[hbm4b:s20+s4] =	stream.linear.scatter [tilespmem:s30], [sflag:$0xB], $0x1400, $0x38;
	v63 =	vld [tilespmem:$0x0]  }
0xd6: {  	_ =	swait.ge [sflag:s8], $0x1400  }
0xd7: {  	[sflag:s8] =	ssyncset.done $0x0  }
0xd8: {  	s20 =	sadd.s32 $0x1B80, s1;
	[sflag:s8] =	ssyncadd.s32 $0xFFFFEC00  }
0xd9: {  	[hbm4b:s20+s4] =	stream.linear.scatter [tilespmem:s0], [sflag:$0xC], $0x1400, $0x38;
	v63 =	vld [tilespmem:$0x0]  }
0xda: {  	_ =	swait.ge [sflag:s9], $0x1400  }
0xdb: {  	[sflag:s9] =	ssyncset.done $0x0  }
0xdc: {  	s20 =	sadd.s32 $0x1E00, s1;
	[sflag:s9] =	ssyncadd.s32 $0xFFFFEC00  }
0xdd: {  	[hbm4b:s20+s4] =	stream.linear.scatter [tilespmem:s26], [sflag:$0xD], $0x1400, $0x38;
	v63 =	vld [tilespmem:$0x0]  }
0xde: {  	_ =	swait.ge [sflag:s10], $0x1400  }
0xdf: {  	[sflag:s10] =	ssyncset.done $0x0  }
0xe0: {  	s20 =	sadd.s32 $0x2080, s1;
	[sflag:s10] =	ssyncadd.s32 $0xFFFFEC00  }
0xe1: {  	[hbm4b:s20+s4] =	stream.linear.scatter [tilespmem:s31], [sflag:$0xE], $0x1400, $0x38;
	v63 =	vld [tilespmem:$0x0]  }
0xe2: {  	_ =	swait.ge [sflag:s11], $0x1400  }
0xe3: {  	p1 =	sne.s32 s21, $0x24400;
	[sflag:s11] =	ssyncset.done $0x0  }
.Ltmp0:
0xe4: {  	s20 =	sadd.s32 $0x2300, s1;
	[sflag:s11] =	ssyncadd.s32 $0xFFFFEC00;
	(pc) =	sbr.rel @p1 .LBB2_2-.Ltmp0, $4  }
0xe5: {  	[hbm4b:s20+s4] =	stream.linear.scatter [tilespmem:s29], [sflag:$0xF], $0x1400, $0x38;
	v63 =	vld [tilespmem:$0x0]  }
0xe6: {  	_ =	swait.ge [sflag:s12], $0x1400  }
0xe7: {  	s21 =	sadd.s32 $0x1400, s21;
	[sflag:s12] =	ssyncset.done $0x0  }
0xe8: {  	s23 =	sadd.s32 $0x140, s23;
	s1 =	sadd.s32 $0x2580, s1;
	[sflag:s12] =	ssyncadd.s32 $0xFFFFEC00  }
0xe9: {  	[hbm4b:s1+s4] =	stream.linear.scatter [tilespmem:s2], [sflag:$0x10], $0x1400, $0x38;
	v63 =	vld [tilespmem:$0x0]  }
0xea: {  	_ =	swait.ge [sflag:s13], $0x1400  }
0xeb: {  	[sflag:s13] =	ssyncset.done $0x0  }
0xec: {  	s21 =	simm.s32 $0x15F40;
	[sflag:s13] =	ssyncadd.s32 $0xFFFFEC00  }
0xed: {  	[tilespmem:s25], [sflag:$0x1] =	stream.indirect.gather [spmem:s3], $0x80, s21, s24, $0xb8;
	v63 =	vld [tilespmem:$0x0]  }
0xee: {  	_ =	swait.ge [sflag:s14], $0x1400  }
0xef: {  	[sflag:s14] =	ssyncset.done $0x0  }
0xf0: {  	s23 =	simm.s32 $0x15F68;
	[sflag:s14] =	ssyncadd.s32 $0xFFFFEC00  }
0xf1: {  	[tilespmem:s28], [sflag:$0x2] =	stream.indirect.gather [spmem:s3], $0x80, s23, s24, $0xb8;
	v63 =	vld [tilespmem:$0x0]  }
0xf2: {  	_ =	swait.ge [sflag:s5], $0x1400  }
0xf3: {  	[sflag:s5] =	ssyncset.done $0x0  }
0xf4: {  	s20 =	rddreg [dreg:$0x11];
	[sflag:s5] =	ssyncadd.s32 $0xFFFFEC00  }
0xf5: {  	[hbm4b:s20+s4] =	stream.linear.scatter [tilespmem:s25], [sflag:$0x9], $0x1400, $0x38;
	v63 =	vld [tilespmem:$0x0]  }
0xf6: {  	_ =	swait.ge [sflag:s6], $0x1400  }
0xf7: {  	[sflag:s6] =	ssyncset.done $0x0  }
0xf8: {  	s21 =	rddreg [dreg:$0x12];
	[sflag:s6] =	ssyncadd.s32 $0xFFFFEC00  }
0xf9: {  	[hbm4b:s21+s4] =	stream.linear.scatter [tilespmem:s28], [sflag:$0xA], $0x1400, $0x38;
	v63 =	vld [tilespmem:$0x0]  }
0xfa: {  	_ =	swait.ge [sflag:s13], $0x1400  }
0xfb: {  	[sflag:s13] =	ssyncset.done $0x0  }
0xfc: {  	[sflag:s13] =	ssyncadd.s32 $0xFFFFEC00  }
0xfd: {  	_ =	swait.ge [sflag:s14], $0x1400  }
0xfe: {  	[sflag:s14] =	ssyncset.done $0x0  }
0xff: {  	[sflag:s14] =	ssyncadd.s32 $0xFFFFEC00  }
0x100: {  	_ =	swait.ge [sflag:s15], $0x1400  }
0x101: {  	[sflag:s15] =	ssyncset.done $0x0  }
0x102: {  	[sflag:s15] =	ssyncadd.s32 $0xFFFFEC00  }
0x103: {  	_ =	swait.ge [sflag:s16], $0x1400  }
0x104: {  	[sflag:s16] =	ssyncset.done $0x0  }
0x105: {  	[sflag:s16] =	ssyncadd.s32 $0xFFFFEC00  }
0x106: {  	_ =	swait.ge [sflag:s17], $0x1400  }
0x107: {  	[sflag:s17] =	ssyncset.done $0x0  }
0x108: {  	[sflag:s17] =	ssyncadd.s32 $0xFFFFEC00  }
0x109: {  	_ =	swait.ge [sflag:s18], $0x1400  }
0x10a: {  	[sflag:s18] =	ssyncset.done $0x0  }
0x10b: {  	[sflag:s18] =	ssyncadd.s32 $0xFFFFEC00  }
0x10c: {  	_ =	swait.ge [sflag:s22], $0x1400  }
0x10d: {  	[sflag:s22] =	ssyncset.done $0x0  }
0x10e: {  	[sflag:s22] =	ssyncadd.s32 $0xFFFFEC00  }
0x10f: {  	_ =	swait.ge [sflag:s19], $0x1400  }
0x110: {  	s20 =	rddreg [dreg:$0x17]  }
0x111: {  	s23 =	rddreg [dreg:$0x13];
	s20 =	sadd.s32 $0x1, s20  }
0x112: {  	p1 =	sne.s32 s20, s23  }
.Ltmp1:
0x113: {  	_ = 	snop;
	(pc) =	sbr.rel @p1 .LBB2_1-.Ltmp1, $3  }
0x114: {  	_ =	sdelay $0x1  }
0x115: {  	[sflag:s19] =	ssyncset.done $0x0  }
0x116: {  	[sflag:s19] =	ssyncadd.s32 $0xFFFFEC00  }
0x117: {  	_ =	sfence.sel $0x180000  }
0x118: {  	[bflag:$0x0] =	sbarrier.arrive $0xFFFF  }
0x119: {  	_ =	strace $0x90000047  }
0x11a: {  	s0 =	stileid.u32;
	[bflag:$0x2] =	sbarrier.arrive $0xFFFF  }
0x11b: {  	p0 =	sne.s32 s0, $0x0;
	s0 =	rddreg [dreg:$0x4]  }
0x11c: {  	s0 =	sadd.s32 @!p0 $0x100000, s0  }
0x11d: {  	[sflag:s0] =	ssyncadd.tile.s32 @!p0 $0x1;
	_ =	shalt  }
.Lfunc_end2:
_tile_overlayer_lowered:
.L_overlay_start_2:
0x11e: {  	(tag) =	ssettag $0x2  }
0x11f: {  	s0 =	rddreg [dreg:$0x0];
	s2 =	stileid.u32  }
0x120: {  	s1 =	rddreg [dreg:$0x1];
	p0 =	sne.s32 s2, $0x0  }
0x121: {  	s3 =	rddreg [dreg:$0x2];
	[bflag:$0x3] =	sbarrier.arrive $0xFFFF;
	s2 =	simm.s32 @!p0 $0x1C12  }
0x122: {  	[timem:s3], [sflag:s2] =	dma.local @!p0 [hbm:s0], s1  }
0x123: {  	s0 =	simm.s32 @!p0 $0x12  }
0x124: {  	_ =	swait.ge @!p0 [sflag:s0], s1  }
0x125: {  	s1 =	ssub.s32 @!p0 $0x0, s1;
	[sflag:s0] =	ssyncset.done @!p0 $0x0  }
0x126: {  	[sflag:s0] =	ssyncadd.s32 @!p0 s1  }
0x127: {  	[bflag:$0x3] =	sbarrier.arrive $0xFFFF  }
0x128: {  	_ =	shalt  }

</sc_bundles>
